<compile_context>
chip_gen: v7x
topology: tpu7x:2x2x1
jax: 0.10.2.dev20260603
libtpu: 0.0.44.dev20260713+nightly
codegen_flags: <defaults>
</compile_context>

<pallas_src>
import jax
import jax.numpy as jnp
from jax.experimental import pallas as pl
from jax.experimental.pallas import tpu as pltpu

ND = 4
D = 1024
B = 1024
S = 20
G = 16
PAD = B + ND * G
NBLK = PAD // G


def _route(ids):
    order = jnp.argsort(ids, stable=True).astype(jnp.int32)
    onehot = (ids[:, None] == jnp.arange(ND, dtype=ids.dtype)[None, :]).astype(jnp.int32)
    counts = jnp.sum(onehot, axis=0)
    real_ends = jnp.cumsum(counts)
    real_starts = real_ends - counts
    padded = ((counts + G - 1) // G) * G
    ends = jnp.cumsum(padded)
    starts = ends - padded

    slot = jnp.arange(PAD, dtype=jnp.int32)
    sdr = jnp.minimum(
        jnp.sum((slot[:, None] >= ends[None, :]).astype(jnp.int32), axis=1), ND - 1)
    in_real = slot < ends[ND - 1]
    q = slot - starts[sdr]
    pos = jnp.where(in_real & (q < counts[sdr]), real_starts[sdr] + q,
                    jnp.where(in_real, real_starts[sdr], 0))
    src = order[pos]

    d0 = ids[order[0]].astype(jnp.int32)
    bd = jnp.where(in_real, sdr, d0).reshape(NBLK, G)[:, 0]
    gs = jnp.arange(NBLK, dtype=jnp.int32) * G
    valid = jnp.clip(counts[bd] - (gs - starts[bd]), 0, G)
    return src, bd, valid, counts


def _fused_body(src_ref, bd_ref, vd_ref, feat_ref, w_ref, a_ref,
                out_ref, l_ref, xacc, racc, insem, outsem):
    g = pl.program_id(0)

    def issue_in(gg):
        pp = jax.lax.rem(gg, 2)
        for t in range(G):
            b = src_ref[gg * G + t]
            pltpu.make_async_copy(
                feat_ref.at[:, b, :], xacc.at[pp, t], insem.at[pp, t]
            ).start()

    def wait_in(gg):
        pp = jax.lax.rem(gg, 2)
        for t in range(G):
            pltpu.make_async_copy(
                feat_ref.at[:, 0, :], xacc.at[pp, t], insem.at[pp, t]
            ).wait()

    def issue_out(gg):
        pp = jax.lax.rem(gg, 2)
        for t in range(G):
            b = src_ref[gg * G + t]
            pltpu.make_async_copy(
                racc.at[pp, t], out_ref.at[:, b, :], outsem.at[pp, t]
            ).start()

    def wait_out(gg):
        pp = jax.lax.rem(gg, 2)
        for t in range(G):
            pltpu.make_async_copy(
                racc.at[pp, t], out_ref.at[:, 0, :], outsem.at[pp, t]
            ).wait()

    @pl.when(g == 0)
    def _():
        issue_in(jnp.int32(0))

    @pl.when(g + 1 < NBLK)
    def _():
        issue_in(g + 1)

    @pl.when(g >= 2)
    def _():
        wait_out(g - 2)

    @pl.when(g < NBLK)
    def _():
        p = jax.lax.rem(g, 2)
        wait_in(g)
        x = xacc[p].astype(jnp.bfloat16)
        w = w_ref[0]
        res = jax.lax.dot_general(x, w, dimension_numbers=(((2,), (1,)), ((), ())),
                                  preferred_element_type=jnp.float32)
        racc[p] = res
        toks = jax.lax.broadcasted_iota(jnp.int32, (G, S, D), 0)
        diff = res - a_ref[...]
        sq = jnp.sum(jnp.where(toks < vd_ref[g], diff * diff, 0.0))
        lane = jax.lax.broadcasted_iota(jnp.int32, (1, 1, 128), 2)
        l_ref[...] = jnp.where(lane == 0, sq, 0.0)
        issue_out(g)


def _run_fused(feats_t, Ws16, anchor_tiled, src, bd, valid, interpret=False):
    grid_spec = pltpu.PrefetchScalarGridSpec(
        num_scalar_prefetch=3,
        grid=(NBLK + 2,),
        in_specs=[
            pl.BlockSpec(memory_space=pl.ANY),
            pl.BlockSpec((1, D, D), lambda g, src, bd, vd: (bd[jnp.minimum(g, NBLK - 1)], 0, 0)),
            pl.BlockSpec((G, S, D), lambda g, src, bd, vd: (0, 0, 0)),
        ],
        out_specs=[
            pl.BlockSpec(memory_space=pl.ANY),
            pl.BlockSpec((1, 1, 128), lambda g, src, bd, vd: (jnp.minimum(g, NBLK - 1), 0, 0)),
        ],
        scratch_shapes=[
            pltpu.VMEM((2, G, S, D), jnp.float32),
            pltpu.VMEM((2, G, S, D), jnp.float32),
            pltpu.SemaphoreType.DMA((2, G)),
            pltpu.SemaphoreType.DMA((2, G)),
        ],
    )
    return pl.pallas_call(
        _fused_body,
        grid_spec=grid_spec,
        out_shape=[
            jax.ShapeDtypeStruct((S, B, D), jnp.float32),
            jax.ShapeDtypeStruct((NBLK, 1, 128), jnp.float32),
        ],
        interpret=interpret,
    )(src, bd, valid, feats_t, Ws16, anchor_tiled)


def kernel(features, domain_ids, anchor, Ws):
    ids = domain_ids.astype(jnp.int32)
    src, bd, valid, counts = _route(ids)
    anchor_tiled = jnp.broadcast_to(anchor.reshape(1, S, D), (G, S, D))
    feats_t = jnp.transpose(features, (1, 0, 2))

    out_t, loss_part = _run_fused(
        feats_t, Ws.astype(jnp.bfloat16), anchor_tiled, src, bd, valid)
    projected = jnp.transpose(out_t, (1, 0, 2))

    bd_onehot = (bd[:, None] == jnp.arange(ND, dtype=jnp.int32)[None, :]).astype(jnp.float32)
    sq_dom = jnp.sum(loss_part[:, 0, 0][:, None] * bd_onehot, axis=0)
    denom = (jnp.maximum(counts, 1) * S * D).astype(jnp.float32)
    loss = jnp.sum(jnp.where(counts > 0, sq_dom / denom, 0.0)) / ND
    return projected, loss

# --- scband reference (transcript-rebuilt; emitter-appended) ---
"""Pipeline reference for scband-active-domain-regulator-25194278159051 (READ-ONLY COPY).

The authoritative reference and input builder live on the scoring server;
editing this copy changes nothing except your own understanding.
"""

import jax, jax.numpy as jnp
import numpy as np

NUM_DOMAINS = 4
FEATURE_DIM = 1024
BATCH = 1024
SEQ = 20


def setup_inputs(seed: int = 0) -> dict:
    key = jax.random.key(seed)
    k1, k2, k3, k4 = jax.random.split(key, 4)
    features = jax.random.normal(k1, (BATCH, SEQ, FEATURE_DIM), dtype=jnp.float32)
    domain_ids = jax.random.randint(k2, (BATCH,), 0, NUM_DOMAINS)
    # learned params: public anchor [1, 20, D] ~ torch.randn, and 4 Linear(D, D, bias=False) weights [out, in]
    anchor = jax.random.normal(k3, (1, SEQ, FEATURE_DIM), dtype=jnp.float32)
    Ws = jax.random.normal(k4, (NUM_DOMAINS, FEATURE_DIM, FEATURE_DIM), dtype=jnp.float32) * (1.0 / np.sqrt(FEATURE_DIM))
    return {"features": features, "domain_ids": domain_ids, "anchor": anchor, "Ws": Ws}


def reference(features, domain_ids, anchor, Ws):
    # Faithful translation: per-domain Linear projection + MSE alignment to public anchor.
    # Torch applies the Linear only to masked rows; here we compute per domain and mask,
    # which is mathematically identical for both outputs.
    B, S, D = features.shape
    projected = jnp.zeros_like(features)
    loss = jnp.asarray(0.0, dtype=features.dtype)
    for i in range(NUM_DOMAINS):
        mask = (domain_ids == i)
        m = mask[:, None, None].astype(features.dtype)
        # nn.Linear: y = x @ W.T with W [out, in]
        proj_i = jnp.einsum('bsd,ed->bse', features, Ws[i])
        projected = projected + proj_i * m
        cnt = mask.sum()
        sq = jnp.sum(((proj_i - anchor) ** 2) * m)
        denom = (jnp.maximum(cnt, 1) * S * D).astype(features.dtype)
        loss_i = jnp.where(cnt > 0, sq / denom, jnp.asarray(0.0, dtype=features.dtype))
        loss = loss + loss_i
    loss = loss / NUM_DOMAINS
    return projected, loss

if __name__ == "__main__":
    import jax
    _d = setup_inputs()
    print(jax.jit(kernel)(*tuple(_d.values())))

</pallas_src>

<mosaic_0001>
module attributes {stable_mosaic.version = 14 : i64} {
  func.func @_fused_body(%arg0: i32, %arg1: memref<1088xi32, #tpu.memory_space<smem>>, %arg2: memref<68xi32, #tpu.memory_space<smem>>, %arg3: memref<68xi32, #tpu.memory_space<smem>>, %arg4: memref<20x1024x1024xf32, #tpu.memory_space<any>>, %arg5: memref<1x1024x1024xbf16, #tpu.memory_space<vmem>>, %arg6: memref<16x20x1024xf32, #tpu.memory_space<vmem>>, %arg7: memref<20x1024x1024xf32, #tpu.memory_space<any>>, %arg8: memref<1x1x128xf32, #tpu.memory_space<vmem>>, %arg9: memref<2x16x20x1024xf32, #tpu.memory_space<vmem>>, %arg10: memref<2x16x20x1024xf32, #tpu.memory_space<vmem>>, %arg11: memref<2x16x!tpu.dma_semaphore, #tpu.memory_space<semaphore_mem>>, %arg12: memref<2x16x!tpu.dma_semaphore, #tpu.memory_space<semaphore_mem>>) attributes {dimension_semantics = [#tpu.dimension_semantics<arbitrary>], iteration_bounds = array<i64: 70>, scalar_prefetch = 3 : i64, scratch_operands = 4 : i64, tpu.core_type = #tpu.core_type<tc>, window_params = [{}, {transform_indices = @transform_1, window_bounds = array<i64: 1, 1024, 1024>}, {pipeline_mode = #tpu.pipeline_mode<synchronous>, transform_indices = @transform_2, window_bounds = array<i64: 16, 20, 1024>}, {}, {transform_indices = @transform_4, window_bounds = array<i64: 1, 1, 128>}]} {
    %eq3A = arith.constant 0 : i32
    %eq3A_0 = arith.cmpi eq, %arg0, %eq3A : i32
    %convert_element_type3A = arith.extui %eq3A_0 : i1 to i32
    %cond3A = arith.constant 0 : i32
    %cond3A_1 = arith.cmpi ne, %convert_element_type3A, %cond3A : i32
    scf.if %cond3A_1 {
      %rem3A = arith.constant 0 : i32
      %rem3A_16 = arith.constant 2 : i32
      %rem3A_17 = arith.remsi %rem3A, %rem3A_16 : i32
      %mul3A = arith.constant 0 : i32
      %mul3A_18 = arith.constant 16 : i32
      %mul3A_19 = arith.muli %mul3A, %mul3A_18 : i32
      %add3A_20 = arith.constant 0 : i32
      %add3A_21 = arith.addi %mul3A_19, %add3A_20 : i32
      %get3A = arith.index_cast %add3A_21 : i32 to index
      %get3A_22 = memref.load %arg1[%get3A] : memref<1088xi32, #tpu.memory_space<smem>>
      %dma_start3A = arith.constant 0 : i32
      %dma_start3A_23 = arith.constant 0 : i32
      %dma_start3A_24 = tpu.memref_slice %arg11[%rem3A_17, %dma_start3A_23] : memref<2x16x!tpu.dma_semaphore, #tpu.memory_space<semaphore_mem>> -> memref<1x1x!tpu.dma_semaphore, #tpu.memory_space<semaphore_mem>>
      %dma_start3A_25 = tpu.memref_squeeze %dma_start3A_24 : memref<1x1x!tpu.dma_semaphore, #tpu.memory_space<semaphore_mem>> -> memref<!tpu.dma_semaphore, #tpu.memory_space<semaphore_mem>>
      %dma_start3A_26 = arith.constant 0 : i32
      %dma_start3A_27 = arith.constant 0 : i32
      %dma_start3A_28 = tpu.memref_slice %arg9[%rem3A_17, %dma_start3A, %dma_start3A_26, %dma_start3A_27] : memref<2x16x20x1024xf32, #tpu.memory_space<vmem>> -> memref<1x1x20x1024xf32, #tpu.memory_space<vmem>>
      %dma_start3A_29 = tpu.memref_squeeze %dma_start3A_28 : memref<1x1x20x1024xf32, #tpu.memory_space<vmem>> -> memref<20x1024xf32, #tpu.memory_space<vmem>>
      %dma_start3A_30 = arith.constant 0 : i32
      %dma_start3A_31 = arith.constant 0 : i32
      %dma_start3A_32 = tpu.memref_slice %arg4[%dma_start3A_30, %get3A_22, %dma_start3A_31] : memref<20x1024x1024xf32, #tpu.memory_space<any>> -> memref<20x1x1024xf32, #tpu.memory_space<any>>
      %dma_start3A_33 = tpu.memref_squeeze %dma_start3A_32 : memref<20x1x1024xf32, #tpu.memory_space<any>> -> memref<20x1024xf32, #tpu.memory_space<any>>
      tpu.enqueue_dma source(%dma_start3A_33 : memref<20x1024xf32, #tpu.memory_space<any>>) target(%dma_start3A_29 : memref<20x1024xf32, #tpu.memory_space<vmem>>) target_semaphore(%dma_start3A_25 : memref<!tpu.dma_semaphore, #tpu.memory_space<semaphore_mem>>)
      %mul3A_34 = arith.constant 0 : i32
      %mul3A_35 = arith.constant 16 : i32
      %mul3A_36 = arith.muli %mul3A_34, %mul3A_35 : i32
      %add3A_37 = arith.constant 1 : i32
      %add3A_38 = arith.addi %mul3A_36, %add3A_37 : i32
      %get3A_39 = arith.index_cast %add3A_38 : i32 to index
      %get3A_40 = memref.load %arg1[%get3A_39] : memref<1088xi32, #tpu.memory_space<smem>>
      %dma_start3A_41 = arith.constant 1 : i32
      %dma_start3A_42 = arith.constant 1 : i32
      %dma_start3A_43 = tpu.memref_slice %arg11[%rem3A_17, %dma_start3A_42] : memref<2x16x!tpu.dma_semaphore, #tpu.memory_space<semaphore_mem>> -> memref<1x1x!tpu.dma_semaphore, #tpu.memory_space<semaphore_mem>>
      %dma_start3A_44 = tpu.memref_squeeze %dma_start3A_43 : memref<1x1x!tpu.dma_semaphore, #tpu.memory_space<semaphore_mem>> -> memref<!tpu.dma_semaphore, #tpu.memory_space<semaphore_mem>>
      %dma_start3A_45 = arith.constant 0 : i32
      %dma_start3A_46 = arith.constant 0 : i32
      %dma_start3A_47 = tpu.memref_slice %arg9[%rem3A_17, %dma_start3A_41, %dma_start3A_45, %dma_start3A_46] : memref<2x16x20x1024xf32, #tpu.memory_space<vmem>> -> memref<1x1x20x1024xf32, #tpu.memory_space<vmem>>
      %dma_start3A_48 = tpu.memref_squeeze %dma_start3A_47 : memref<1x1x20x1024xf32, #tpu.memory_space<vmem>> -> memref<20x1024xf32, #tpu.memory_space<vmem>>
      %dma_start3A_49 = arith.constant 0 : i32
      %dma_start3A_50 = arith.constant 0 : i32
      %dma_start3A_51 = tpu.memref_slice %arg4[%dma_start3A_49, %get3A_40, %dma_start3A_50] : memref<20x1024x1024xf32, #tpu.memory_space<any>> -> memref<20x1x1024xf32, #tpu.memory_space<any>>
      %dma_start3A_52 = tpu.memref_squeeze %dma_start3A_51 : memref<20x1x1024xf32, #tpu.memory_space<any>> -> memref<20x1024xf32, #tpu.memory_space<any>>
      tpu.enqueue_dma source(%dma_start3A_52 : memref<20x1024xf32, #tpu.memory_space<any>>) target(%dma_start3A_48 : memref<20x1024xf32, #tpu.memory_space<vmem>>) target_semaphore(%dma_start3A_44 : memref<!tpu.dma_semaphore, #tpu.memory_space<semaphore_mem>>)
      %mul3A_53 = arith.constant 0 : i32
      %mul3A_54 = arith.constant 16 : i32
      %mul3A_55 = arith.muli %mul3A_53, %mul3A_54 : i32
      %add3A_56 = arith.constant 2 : i32
      %add3A_57 = arith.addi %mul3A_55, %add3A_56 : i32
      %get3A_58 = arith.index_cast %add3A_57 : i32 to index
      %get3A_59 = memref.load %arg1[%get3A_58] : memref<1088xi32, #tpu.memory_space<smem>>
      %dma_start3A_60 = arith.constant 2 : i32
      %dma_start3A_61 = arith.constant 2 : i32
      %dma_start3A_62 = tpu.memref_slice %arg11[%rem3A_17, %dma_start3A_61] : memref<2x16x!tpu.dma_semaphore, #tpu.memory_space<semaphore_mem>> -> memref<1x1x!tpu.dma_semaphore, #tpu.memory_space<semaphore_mem>>
      %dma_start3A_63 = tpu.memref_squeeze %dma_start3A_62 : memref<1x1x!tpu.dma_semaphore, #tpu.memory_space<semaphore_mem>> -> memref<!tpu.dma_semaphore, #tpu.memory_space<semaphore_mem>>
      %dma_start3A_64 = arith.constant 0 : i32
      %dma_start3A_65 = arith.constant 0 : i32
      %dma_start3A_66 = tpu.memref_slice %arg9[%rem3A_17, %dma_start3A_60, %dma_start3A_64, %dma_start3A_65] : memref<2x16x20x1024xf32, #tpu.memory_space<vmem>> -> memref<1x1x20x1024xf32, #tpu.memory_space<vmem>>
      %dma_start3A_67 = tpu.memref_squeeze %dma_start3A_66 : memref<1x1x20x1024xf32, #tpu.memory_space<vmem>> -> memref<20x1024xf32, #tpu.memory_space<vmem>>
      %dma_start3A_68 = arith.constant 0 : i32
      %dma_start3A_69 = arith.constant 0 : i32
      %dma_start3A_70 = tpu.memref_slice %arg4[%dma_start3A_68, %get3A_59, %dma_start3A_69] : memref<20x1024x1024xf32, #tpu.memory_space<any>> -> memref<20x1x1024xf32, #tpu.memory_space<any>>
      %dma_start3A_71 = tpu.memref_squeeze %dma_start3A_70 : memref<20x1x1024xf32, #tpu.memory_space<any>> -> memref<20x1024xf32, #tpu.memory_space<any>>
      tpu.enqueue_dma source(%dma_start3A_71 : memref<20x1024xf32, #tpu.memory_space<any>>) target(%dma_start3A_67 : memref<20x1024xf32, #tpu.memory_space<vmem>>) target_semaphore(%dma_start3A_63 : memref<!tpu.dma_semaphore, #tpu.memory_space<semaphore_mem>>)
      %mul3A_72 = arith.constant 0 : i32
      %mul3A_73 = arith.constant 16 : i32
      %mul3A_74 = arith.muli %mul3A_72, %mul3A_73 : i32
      %add3A_75 = arith.constant 3 : i32
      %add3A_76 = arith.addi %mul3A_74, %add3A_75 : i32
      %get3A_77 = arith.index_cast %add3A_76 : i32 to index
      %get3A_78 = memref.load %arg1[%get3A_77] : memref<1088xi32, #tpu.memory_space<smem>>
      %dma_start3A_79 = arith.constant 3 : i32
      %dma_start3A_80 = arith.constant 3 : i32
      %dma_start3A_81 = tpu.memref_slice %arg11[%rem3A_17, %dma_start3A_80] : memref<2x16x!tpu.dma_semaphore, #tpu.memory_space<semaphore_mem>> -> memref<1x1x!tpu.dma_semaphore, #tpu.memory_space<semaphore_mem>>
      %dma_start3A_82 = tpu.memref_squeeze %dma_start3A_81 : memref<1x1x!tpu.dma_semaphore, #tpu.memory_space<semaphore_mem>> -> memref<!tpu.dma_semaphore, #tpu.memory_space<semaphore_mem>>
      %dma_start3A_83 = arith.constant 0 : i32
      %dma_start3A_84 = arith.constant 0 : i32
      %dma_start3A_85 = tpu.memref_slice %arg9[%rem3A_17, %dma_start3A_79, %dma_start3A_83, %dma_start3A_84] : memref<2x16x20x1024xf32, #tpu.memory_space<vmem>> -> memref<1x1x20x1024xf32, #tpu.memory_space<vmem>>
      %dma_start3A_86 = tpu.memref_squeeze %dma_start3A_85 : memref<1x1x20x1024xf32, #tpu.memory_space<vmem>> -> memref<20x1024xf32, #tpu.memory_space<vmem>>
      %dma_start3A_87 = arith.constant 0 : i32
      %dma_start3A_88 = arith.constant 0 : i32
      %dma_start3A_89 = tpu.memref_slice %arg4[%dma_start3A_87, %get3A_78, %dma_start3A_88] : memref<20x1024x1024xf32, #tpu.memory_space<any>> -> memref<20x1x1024xf32, #tpu.memory_space<any>>
      %dma_start3A_90 = tpu.memref_squeeze %dma_start3A_89 : memref<20x1x1024xf32, #tpu.memory_space<any>> -> memref<20x1024xf32, #tpu.memory_space<any>>
      tpu.enqueue_dma source(%dma_start3A_90 : memref<20x1024xf32, #tpu.memory_space<any>>) target(%dma_start3A_86 : memref<20x1024xf32, #tpu.memory_space<vmem>>) target_semaphore(%dma_start3A_82 : memref<!tpu.dma_semaphore, #tpu.memory_space<semaphore_mem>>)
      %mul3A_91 = arith.constant 0 : i32
      %mul3A_92 = arith.constant 16 : i32
      %mul3A_93 = arith.muli %mul3A_91, %mul3A_92 : i32
      %add3A_94 = arith.constant 4 : i32
      %add3A_95 = arith.addi %mul3A_93, %add3A_94 : i32
      %get3A_96 = arith.index_cast %add3A_95 : i32 to index
      %get3A_97 = memref.load %arg1[%get3A_96] : memref<1088xi32, #tpu.memory_space<smem>>
      %dma_start3A_98 = arith.constant 4 : i32
      %dma_start3A_99 = arith.constant 4 : i32
      %dma_start3A_100 = tpu.memref_slice %arg11[%rem3A_17, %dma_start3A_99] : memref<2x16x!tpu.dma_semaphore, #tpu.memory_space<semaphore_mem>> -> memref<1x1x!tpu.dma_semaphore, #tpu.memory_space<semaphore_mem>>
      %dma_start3A_101 = tpu.memref_squeeze %dma_start3A_100 : memref<1x1x!tpu.dma_semaphore, #tpu.memory_space<semaphore_mem>> -> memref<!tpu.dma_semaphore, #tpu.memory_space<semaphore_mem>>
      %dma_start3A_102 = arith.constant 0 : i32
      %dma_start3A_103 = arith.constant 0 : i32
      %dma_start3A_104 = tpu.memref_slice %arg9[%rem3A_17, %dma_start3A_98, %dma_start3A_102, %dma_start3A_103] : memref<2x16x20x1024xf32, #tpu.memory_space<vmem>> -> memref<1x1x20x1024xf32, #tpu.memory_space<vmem>>
      %dma_start3A_105 = tpu.memref_squeeze %dma_start3A_104 : memref<1x1x20x1024xf32, #tpu.memory_space<vmem>> -> memref<20x1024xf32, #tpu.memory_space<vmem>>
      %dma_start3A_106 = arith.constant 0 : i32
      %dma_start3A_107 = arith.constant 0 : i32
      %dma_start3A_108 = tpu.memref_slice %arg4[%dma_start3A_106, %get3A_97, %dma_start3A_107] : memref<20x1024x1024xf32, #tpu.memory_space<any>> -> memref<20x1x1024xf32, #tpu.memory_space<any>>
      %dma_start3A_109 = tpu.memref_squeeze %dma_start3A_108 : memref<20x1x1024xf32, #tpu.memory_space<any>> -> memref<20x1024xf32, #tpu.memory_space<any>>
      tpu.enqueue_dma source(%dma_start3A_109 : memref<20x1024xf32, #tpu.memory_space<any>>) target(%dma_start3A_105 : memref<20x1024xf32, #tpu.memory_space<vmem>>) target_semaphore(%dma_start3A_101 : memref<!tpu.dma_semaphore, #tpu.memory_space<semaphore_mem>>)
      %mul3A_110 = arith.constant 0 : i32
      %mul3A_111 = arith.constant 16 : i32
      %mul3A_112 = arith.muli %mul3A_110, %mul3A_111 : i32
      %add3A_113 = arith.constant 5 : i32
      %add3A_114 = arith.addi %mul3A_112, %add3A_113 : i32
      %get3A_115 = arith.index_cast %add3A_114 : i32 to index
      %get3A_116 = memref.load %arg1[%get3A_115] : memref<1088xi32, #tpu.memory_space<smem>>
      %dma_start3A_117 = arith.constant 5 : i32
      %dma_start3A_118 = arith.constant 5 : i32
      %dma_start3A_119 = tpu.memref_slice %arg11[%rem3A_17, %dma_start3A_118] : memref<2x16x!tpu.dma_semaphore, #tpu.memory_space<semaphore_mem>> -> memref<1x1x!tpu.dma_semaphore, #tpu.memory_space<semaphore_mem>>
      %dma_start3A_120 = tpu.memref_squeeze %dma_start3A_119 : memref<1x1x!tpu.dma_semaphore, #tpu.memory_space<semaphore_mem>> -> memref<!tpu.dma_semaphore, #tpu.memory_space<semaphore_mem>>
      %dma_start3A_121 = arith.constant 0 : i32
      %dma_start3A_122 = arith.constant 0 : i32
      %dma_start3A_123 = tpu.memref_slice %arg9[%rem3A_17, %dma_start3A_117, %dma_start3A_121, %dma_start3A_122] : memref<2x16x20x1024xf32, #tpu.memory_space<vmem>> -> memref<1x1x20x1024xf32, #tpu.memory_space<vmem>>
      %dma_start3A_124 = tpu.memref_squeeze %dma_start3A_123 : memref<1x1x20x1024xf32, #tpu.memory_space<vmem>> -> memref<20x1024xf32, #tpu.memory_space<vmem>>
      %dma_start3A_125 = arith.constant 0 : i32
      %dma_start3A_126 = arith.constant 0 : i32
      %dma_start3A_127 = tpu.memref_slice %arg4[%dma_start3A_125, %get3A_116, %dma_start3A_126] : memref<20x1024x1024xf32, #tpu.memory_space<any>> -> memref<20x1x1024xf32, #tpu.memory_space<any>>
      %dma_start3A_128 = tpu.memref_squeeze %dma_start3A_127 : memref<20x1x1024xf32, #tpu.memory_space<any>> -> memref<20x1024xf32, #tpu.memory_space<any>>
      tpu.enqueue_dma source(%dma_start3A_128 : memref<20x1024xf32, #tpu.memory_space<any>>) target(%dma_start3A_124 : memref<20x1024xf32, #tpu.memory_space<vmem>>) target_semaphore(%dma_start3A_120 : memref<!tpu.dma_semaphore, #tpu.memory_space<semaphore_mem>>)
      %mul3A_129 = arith.constant 0 : i32
      %mul3A_130 = arith.constant 16 : i32
      %mul3A_131 = arith.muli %mul3A_129, %mul3A_130 : i32
      %add3A_132 = arith.constant 6 : i32
      %add3A_133 = arith.addi %mul3A_131, %add3A_132 : i32
      %get3A_134 = arith.index_cast %add3A_133 : i32 to index
      %get3A_135 = memref.load %arg1[%get3A_134] : memref<1088xi32, #tpu.memory_space<smem>>
      %dma_start3A_136 = arith.constant 6 : i32
      %dma_start3A_137 = arith.constant 6 : i32
      %dma_start3A_138 = tpu.memref_slice %arg11[%rem3A_17, %dma_start3A_137] : memref<2x16x!tpu.dma_semaphore, #tpu.memory_space<semaphore_mem>> -> memref<1x1x!tpu.dma_semaphore, #tpu.memory_space<semaphore_mem>>
      %dma_start3A_139 = tpu.memref_squeeze %dma_start3A_138 : memref<1x1x!tpu.dma_semaphore, #tpu.memory_space<semaphore_mem>> -> memref<!tpu.dma_semaphore, #tpu.memory_space<semaphore_mem>>
      %dma_start3A_140 = arith.constant 0 : i32
      %dma_start3A_141 = arith.constant 0 : i32
      %dma_start3A_142 = tpu.memref_slice %arg9[%rem3A_17, %dma_start3A_136, %dma_start3A_140, %dma_start3A_141] : memref<2x16x20x1024xf32, #tpu.memory_space<vmem>> -> memref<1x1x20x1024xf32, #tpu.memory_space<vmem>>
      %dma_start3A_143 = tpu.memref_squeeze %dma_start3A_142 : memref<1x1x20x1024xf32, #tpu.memory_space<vmem>> -> memref<20x1024xf32, #tpu.memory_space<vmem>>
      %dma_start3A_144 = arith.constant 0 : i32
      %dma_start3A_145 = arith.constant 0 : i32
      %dma_start3A_146 = tpu.memref_slice %arg4[%dma_start3A_144, %get3A_135, %dma_start3A_145] : memref<20x1024x1024xf32, #tpu.memory_space<any>> -> memref<20x1x1024xf32, #tpu.memory_space<any>>
      %dma_start3A_147 = tpu.memref_squeeze %dma_start3A_146 : memref<20x1x1024xf32, #tpu.memory_space<any>> -> memref<20x1024xf32, #tpu.memory_space<any>>
      tpu.enqueue_dma source(%dma_start3A_147 : memref<20x1024xf32, #tpu.memory_space<any>>) target(%dma_start3A_143 : memref<20x1024xf32, #tpu.memory_space<vmem>>) target_semaphore(%dma_start3A_139 : memref<!tpu.dma_semaphore, #tpu.memory_space<semaphore_mem>>)
      %mul3A_148 = arith.constant 0 : i32
      %mul3A_149 = arith.constant 16 : i32
      %mul3A_150 = arith.muli %mul3A_148, %mul3A_149 : i32
      %add3A_151 = arith.constant 7 : i32
      %add3A_152 = arith.addi %mul3A_150, %add3A_151 : i32
      %get3A_153 = arith.index_cast %add3A_152 : i32 to index
      %get3A_154 = memref.load %arg1[%get3A_153] : memref<1088xi32, #tpu.memory_space<smem>>
      %dma_start3A_155 = arith.constant 7 : i32
      %dma_start3A_156 = arith.constant 7 : i32
      %dma_start3A_157 = tpu.memref_slice %arg11[%rem3A_17, %dma_start3A_156] : memref<2x16x!tpu.dma_semaphore, #tpu.memory_space<semaphore_mem>> -> memref<1x1x!tpu.dma_semaphore, #tpu.memory_space<semaphore_mem>>
      %dma_start3A_158 = tpu.memref_squeeze %dma_start3A_157 : memref<1x1x!tpu.dma_semaphore, #tpu.memory_space<semaphore_mem>> -> memref<!tpu.dma_semaphore, #tpu.memory_space<semaphore_mem>>
      %dma_start3A_159 = arith.constant 0 : i32
      %dma_start3A_160 = arith.constant 0 : i32
      %dma_start3A_161 = tpu.memref_slice %arg9[%rem3A_17, %dma_start3A_155, %dma_start3A_159, %dma_start3A_160] : memref<2x16x20x1024xf32, #tpu.memory_space<vmem>> -> memref<1x1x20x1024xf32, #tpu.memory_space<vmem>>
      %dma_start3A_162 = tpu.memref_squeeze %dma_start3A_161 : memref<1x1x20x1024xf32, #tpu.memory_space<vmem>> -> memref<20x1024xf32, #tpu.memory_space<vmem>>
      %dma_start3A_163 = arith.constant 0 : i32
      %dma_start3A_164 = arith.constant 0 : i32
      %dma_start3A_165 = tpu.memref_slice %arg4[%dma_start3A_163, %get3A_154, %dma_start3A_164] : memref<20x1024x1024xf32, #tpu.memory_space<any>> -> memref<20x1x1024xf32, #tpu.memory_space<any>>
      %dma_start3A_166 = tpu.memref_squeeze %dma_start3A_165 : memref<20x1x1024xf32, #tpu.memory_space<any>> -> memref<20x1024xf32, #tpu.memory_space<any>>
      tpu.enqueue_dma source(%dma_start3A_166 : memref<20x1024xf32, #tpu.memory_space<any>>) target(%dma_start3A_162 : memref<20x1024xf32, #tpu.memory_space<vmem>>) target_semaphore(%dma_start3A_158 : memref<!tpu.dma_semaphore, #tpu.memory_space<semaphore_mem>>)
      %mul3A_167 = arith.constant 0 : i32
      %mul3A_168 = arith.constant 16 : i32
      %mul3A_169 = arith.muli %mul3A_167, %mul3A_168 : i32
      %add3A_170 = arith.constant 8 : i32
      %add3A_171 = arith.addi %mul3A_169, %add3A_170 : i32
      %get3A_172 = arith.index_cast %add3A_171 : i32 to index
      %get3A_173 = memref.load %arg1[%get3A_172] : memref<1088xi32, #tpu.memory_space<smem>>
      %dma_start3A_174 = arith.constant 8 : i32
      %dma_start3A_175 = arith.constant 8 : i32
      %dma_start3A_176 = tpu.memref_slice %arg11[%rem3A_17, %dma_start3A_175] : memref<2x16x!tpu.dma_semaphore, #tpu.memory_space<semaphore_mem>> -> memref<1x1x!tpu.dma_semaphore, #tpu.memory_space<semaphore_mem>>
      %dma_start3A_177 = tpu.memref_squeeze %dma_start3A_176 : memref<1x1x!tpu.dma_semaphore, #tpu.memory_space<semaphore_mem>> -> memref<!tpu.dma_semaphore, #tpu.memory_space<semaphore_mem>>
      %dma_start3A_178 = arith.constant 0 : i32
      %dma_start3A_179 = arith.constant 0 : i32
      %dma_start3A_180 = tpu.memref_slice %arg9[%rem3A_17, %dma_start3A_174, %dma_start3A_178, %dma_start3A_179] : memref<2x16x20x1024xf32, #tpu.memory_space<vmem>> -> memref<1x1x20x1024xf32, #tpu.memory_space<vmem>>
      %dma_start3A_181 = tpu.memref_squeeze %dma_start3A_180 : memref<1x1x20x1024xf32, #tpu.memory_space<vmem>> -> memref<20x1024xf32, #tpu.memory_space<vmem>>
      %dma_start3A_182 = arith.constant 0 : i32
      %dma_start3A_183 = arith.constant 0 : i32
      %dma_start3A_184 = tpu.memref_slice %arg4[%dma_start3A_182, %get3A_173, %dma_start3A_183] : memref<20x1024x1024xf32, #tpu.memory_space<any>> -> memref<20x1x1024xf32, #tpu.memory_space<any>>
      %dma_start3A_185 = tpu.memref_squeeze %dma_start3A_184 : memref<20x1x1024xf32, #tpu.memory_space<any>> -> memref<20x1024xf32, #tpu.memory_space<any>>
      tpu.enqueue_dma source(%dma_start3A_185 : memref<20x1024xf32, #tpu.memory_space<any>>) target(%dma_start3A_181 : memref<20x1024xf32, #tpu.memory_space<vmem>>) target_semaphore(%dma_start3A_177 : memref<!tpu.dma_semaphore, #tpu.memory_space<semaphore_mem>>)
      %mul3A_186 = arith.constant 0 : i32
      %mul3A_187 = arith.constant 16 : i32
      %mul3A_188 = arith.muli %mul3A_186, %mul3A_187 : i32
      %add3A_189 = arith.constant 9 : i32
      %add3A_190 = arith.addi %mul3A_188, %add3A_189 : i32
      %get3A_191 = arith.index_cast %add3A_190 : i32 to index
      %get3A_192 = memref.load %arg1[%get3A_191] : memref<1088xi32, #tpu.memory_space<smem>>
      %dma_start3A_193 = arith.constant 9 : i32
      %dma_start3A_194 = arith.constant 9 : i32
      %dma_start3A_195 = tpu.memref_slice %arg11[%rem3A_17, %dma_start3A_194] : memref<2x16x!tpu.dma_semaphore, #tpu.memory_space<semaphore_mem>> -> memref<1x1x!tpu.dma_semaphore, #tpu.memory_space<semaphore_mem>>
      %dma_start3A_196 = tpu.memref_squeeze %dma_start3A_195 : memref<1x1x!tpu.dma_semaphore, #tpu.memory_space<semaphore_mem>> -> memref<!tpu.dma_semaphore, #tpu.memory_space<semaphore_mem>>
      %dma_start3A_197 = arith.constant 0 : i32
      %dma_start3A_198 = arith.constant 0 : i32
      %dma_start3A_199 = tpu.memref_slice %arg9[%rem3A_17, %dma_start3A_193, %dma_start3A_197, %dma_start3A_198] : memref<2x16x20x1024xf32, #tpu.memory_space<vmem>> -> memref<1x1x20x1024xf32, #tpu.memory_space<vmem>>
      %dma_start3A_200 = tpu.memref_squeeze %dma_start3A_199 : memref<1x1x20x1024xf32, #tpu.memory_space<vmem>> -> memref<20x1024xf32, #tpu.memory_space<vmem>>
      %dma_start3A_201 = arith.constant 0 : i32
      %dma_start3A_202 = arith.constant 0 : i32
      %dma_start3A_203 = tpu.memref_slice %arg4[%dma_start3A_201, %get3A_192, %dma_start3A_202] : memref<20x1024x1024xf32, #tpu.memory_space<any>> -> memref<20x1x1024xf32, #tpu.memory_space<any>>
      %dma_start3A_204 = tpu.memref_squeeze %dma_start3A_203 : memref<20x1x1024xf32, #tpu.memory_space<any>> -> memref<20x1024xf32, #tpu.memory_space<any>>
      tpu.enqueue_dma source(%dma_start3A_204 : memref<20x1024xf32, #tpu.memory_space<any>>) target(%dma_start3A_200 : memref<20x1024xf32, #tpu.memory_space<vmem>>) target_semaphore(%dma_start3A_196 : memref<!tpu.dma_semaphore, #tpu.memory_space<semaphore_mem>>)
      %mul3A_205 = arith.constant 0 : i32
      %mul3A_206 = arith.constant 16 : i32
      %mul3A_207 = arith.muli %mul3A_205, %mul3A_206 : i32
      %add3A_208 = arith.constant 10 : i32
      %add3A_209 = arith.addi %mul3A_207, %add3A_208 : i32
      %get3A_210 = arith.index_cast %add3A_209 : i32 to index
      %get3A_211 = memref.load %arg1[%get3A_210] : memref<1088xi32, #tpu.memory_space<smem>>
      %dma_start3A_212 = arith.constant 10 : i32
      %dma_start3A_213 = arith.constant 10 : i32
      %dma_start3A_214 = tpu.memref_slice %arg11[%rem3A_17, %dma_start3A_213] : memref<2x16x!tpu.dma_semaphore, #tpu.memory_space<semaphore_mem>> -> memref<1x1x!tpu.dma_semaphore, #tpu.memory_space<semaphore_mem>>
      %dma_start3A_215 = tpu.memref_squeeze %dma_start3A_214 : memref<1x1x!tpu.dma_semaphore, #tpu.memory_space<semaphore_mem>> -> memref<!tpu.dma_semaphore, #tpu.memory_space<semaphore_mem>>
      %dma_start3A_216 = arith.constant 0 : i32
      %dma_start3A_217 = arith.constant 0 : i32
      %dma_start3A_218 = tpu.memref_slice %arg9[%rem3A_17, %dma_start3A_212, %dma_start3A_216, %dma_start3A_217] : memref<2x16x20x1024xf32, #tpu.memory_space<vmem>> -> memref<1x1x20x1024xf32, #tpu.memory_space<vmem>>
      %dma_start3A_219 = tpu.memref_squeeze %dma_start3A_218 : memref<1x1x20x1024xf32, #tpu.memory_space<vmem>> -> memref<20x1024xf32, #tpu.memory_space<vmem>>
      %dma_start3A_220 = arith.constant 0 : i32
      %dma_start3A_221 = arith.constant 0 : i32
      %dma_start3A_222 = tpu.memref_slice %arg4[%dma_start3A_220, %get3A_211, %dma_start3A_221] : memref<20x1024x1024xf32, #tpu.memory_space<any>> -> memref<20x1x1024xf32, #tpu.memory_space<any>>
      %dma_start3A_223 = tpu.memref_squeeze %dma_start3A_222 : memref<20x1x1024xf32, #tpu.memory_space<any>> -> memref<20x1024xf32, #tpu.memory_space<any>>
      tpu.enqueue_dma source(%dma_start3A_223 : memref<20x1024xf32, #tpu.memory_space<any>>) target(%dma_start3A_219 : memref<20x1024xf32, #tpu.memory_space<vmem>>) target_semaphore(%dma_start3A_215 : memref<!tpu.dma_semaphore, #tpu.memory_space<semaphore_mem>>)
      %mul3A_224 = arith.constant 0 : i32
      %mul3A_225 = arith.constant 16 : i32
      %mul3A_226 = arith.muli %mul3A_224, %mul3A_225 : i32
      %add3A_227 = arith.constant 11 : i32
      %add3A_228 = arith.addi %mul3A_226, %add3A_227 : i32
      %get3A_229 = arith.index_cast %add3A_228 : i32 to index
      %get3A_230 = memref.load %arg1[%get3A_229] : memref<1088xi32, #tpu.memory_space<smem>>
      %dma_start3A_231 = arith.constant 11 : i32
      %dma_start3A_232 = arith.constant 11 : i32
      %dma_start3A_233 = tpu.memref_slice %arg11[%rem3A_17, %dma_start3A_232] : memref<2x16x!tpu.dma_semaphore, #tpu.memory_space<semaphore_mem>> -> memref<1x1x!tpu.dma_semaphore, #tpu.memory_space<semaphore_mem>>
      %dma_start3A_234 = tpu.memref_squeeze %dma_start3A_233 : memref<1x1x!tpu.dma_semaphore, #tpu.memory_space<semaphore_mem>> -> memref<!tpu.dma_semaphore, #tpu.memory_space<semaphore_mem>>
      %dma_start3A_235 = arith.constant 0 : i32
      %dma_start3A_236 = arith.constant 0 : i32
      %dma_start3A_237 = tpu.memref_slice %arg9[%rem3A_17, %dma_start3A_231, %dma_start3A_235, %dma_start3A_236] : memref<2x16x20x1024xf32, #tpu.memory_space<vmem>> -> memref<1x1x20x1024xf32, #tpu.memory_space<vmem>>
      %dma_start3A_238 = tpu.memref_squeeze %dma_start3A_237 : memref<1x1x20x1024xf32, #tpu.memory_space<vmem>> -> memref<20x1024xf32, #tpu.memory_space<vmem>>
      %dma_start3A_239 = arith.constant 0 : i32
      %dma_start3A_240 = arith.constant 0 : i32
      %dma_start3A_241 = tpu.memref_slice %arg4[%dma_start3A_239, %get3A_230, %dma_start3A_240] : memref<20x1024x1024xf32, #tpu.memory_space<any>> -> memref<20x1x1024xf32, #tpu.memory_space<any>>
      %dma_start3A_242 = tpu.memref_squeeze %dma_start3A_241 : memref<20x1x1024xf32, #tpu.memory_space<any>> -> memref<20x1024xf32, #tpu.memory_space<any>>
      tpu.enqueue_dma source(%dma_start3A_242 : memref<20x1024xf32, #tpu.memory_space<any>>) target(%dma_start3A_238 : memref<20x1024xf32, #tpu.memory_space<vmem>>) target_semaphore(%dma_start3A_234 : memref<!tpu.dma_semaphore, #tpu.memory_space<semaphore_mem>>)
      %mul3A_243 = arith.constant 0 : i32
      %mul3A_244 = arith.constant 16 : i32
      %mul3A_245 = arith.muli %mul3A_243, %mul3A_244 : i32
      %add3A_246 = arith.constant 12 : i32
      %add3A_247 = arith.addi %mul3A_245, %add3A_246 : i32
      %get3A_248 = arith.index_cast %add3A_247 : i32 to index
      %get3A_249 = memref.load %arg1[%get3A_248] : memref<1088xi32, #tpu.memory_space<smem>>
      %dma_start3A_250 = arith.constant 12 : i32
      %dma_start3A_251 = arith.constant 12 : i32
      %dma_start3A_252 = tpu.memref_slice %arg11[%rem3A_17, %dma_start3A_251] : memref<2x16x!tpu.dma_semaphore, #tpu.memory_space<semaphore_mem>> -> memref<1x1x!tpu.dma_semaphore, #tpu.memory_space<semaphore_mem>>
      %dma_start3A_253 = tpu.memref_squeeze %dma_start3A_252 : memref<1x1x!tpu.dma_semaphore, #tpu.memory_space<semaphore_mem>> -> memref<!tpu.dma_semaphore, #tpu.memory_space<semaphore_mem>>
      %dma_start3A_254 = arith.constant 0 : i32
      %dma_start3A_255 = arith.constant 0 : i32
      %dma_start3A_256 = tpu.memref_slice %arg9[%rem3A_17, %dma_start3A_250, %dma_start3A_254, %dma_start3A_255] : memref<2x16x20x1024xf32, #tpu.memory_space<vmem>> -> memref<1x1x20x1024xf32, #tpu.memory_space<vmem>>
      %dma_start3A_257 = tpu.memref_squeeze %dma_start3A_256 : memref<1x1x20x1024xf32, #tpu.memory_space<vmem>> -> memref<20x1024xf32, #tpu.memory_space<vmem>>
      %dma_start3A_258 = arith.constant 0 : i32
      %dma_start3A_259 = arith.constant 0 : i32
      %dma_start3A_260 = tpu.memref_slice %arg4[%dma_start3A_258, %get3A_249, %dma_start3A_259] : memref<20x1024x1024xf32, #tpu.memory_space<any>> -> memref<20x1x1024xf32, #tpu.memory_space<any>>
      %dma_start3A_261 = tpu.memref_squeeze %dma_start3A_260 : memref<20x1x1024xf32, #tpu.memory_space<any>> -> memref<20x1024xf32, #tpu.memory_space<any>>
      tpu.enqueue_dma source(%dma_start3A_261 : memref<20x1024xf32, #tpu.memory_space<any>>) target(%dma_start3A_257 : memref<20x1024xf32, #tpu.memory_space<vmem>>) target_semaphore(%dma_start3A_253 : memref<!tpu.dma_semaphore, #tpu.memory_space<semaphore_mem>>)
      %mul3A_262 = arith.constant 0 : i32
      %mul3A_263 = arith.constant 16 : i32
      %mul3A_264 = arith.muli %mul3A_262, %mul3A_263 : i32
      %add3A_265 = arith.constant 13 : i32
      %add3A_266 = arith.addi %mul3A_264, %add3A_265 : i32
      %get3A_267 = arith.index_cast %add3A_266 : i32 to index
      %get3A_268 = memref.load %arg1[%get3A_267] : memref<1088xi32, #tpu.memory_space<smem>>
      %dma_start3A_269 = arith.constant 13 : i32
      %dma_start3A_270 = arith.constant 13 : i32
      %dma_start3A_271 = tpu.memref_slice %arg11[%rem3A_17, %dma_start3A_270] : memref<2x16x!tpu.dma_semaphore, #tpu.memory_space<semaphore_mem>> -> memref<1x1x!tpu.dma_semaphore, #tpu.memory_space<semaphore_mem>>
      %dma_start3A_272 = tpu.memref_squeeze %dma_start3A_271 : memref<1x1x!tpu.dma_semaphore, #tpu.memory_space<semaphore_mem>> -> memref<!tpu.dma_semaphore, #tpu.memory_space<semaphore_mem>>
      %dma_start3A_273 = arith.constant 0 : i32
      %dma_start3A_274 = arith.constant 0 : i32
      %dma_start3A_275 = tpu.memref_slice %arg9[%rem3A_17, %dma_start3A_269, %dma_start3A_273, %dma_start3A_274] : memref<2x16x20x1024xf32, #tpu.memory_space<vmem>> -> memref<1x1x20x1024xf32, #tpu.memory_space<vmem>>
      %dma_start3A_276 = tpu.memref_squeeze %dma_start3A_275 : memref<1x1x20x1024xf32, #tpu.memory_space<vmem>> -> memref<20x1024xf32, #tpu.memory_space<vmem>>
      %dma_start3A_277 = arith.constant 0 : i32
      %dma_start3A_278 = arith.constant 0 : i32
      %dma_start3A_279 = tpu.memref_slice %arg4[%dma_start3A_277, %get3A_268, %dma_start3A_278] : memref<20x1024x1024xf32, #tpu.memory_space<any>> -> memref<20x1x1024xf32, #tpu.memory_space<any>>
      %dma_start3A_280 = tpu.memref_squeeze %dma_start3A_279 : memref<20x1x1024xf32, #tpu.memory_space<any>> -> memref<20x1024xf32, #tpu.memory_space<any>>
      tpu.enqueue_dma source(%dma_start3A_280 : memref<20x1024xf32, #tpu.memory_space<any>>) target(%dma_start3A_276 : memref<20x1024xf32, #tpu.memory_space<vmem>>) target_semaphore(%dma_start3A_272 : memref<!tpu.dma_semaphore, #tpu.memory_space<semaphore_mem>>)
      %mul3A_281 = arith.constant 0 : i32
      %mul3A_282 = arith.constant 16 : i32
      %mul3A_283 = arith.muli %mul3A_281, %mul3A_282 : i32
      %add3A_284 = arith.constant 14 : i32
      %add3A_285 = arith.addi %mul3A_283, %add3A_284 : i32
      %get3A_286 = arith.index_cast %add3A_285 : i32 to index
      %get3A_287 = memref.load %arg1[%get3A_286] : memref<1088xi32, #tpu.memory_space<smem>>
      %dma_start3A_288 = arith.constant 14 : i32
      %dma_start3A_289 = arith.constant 14 : i32
      %dma_start3A_290 = tpu.memref_slice %arg11[%rem3A_17, %dma_start3A_289] : memref<2x16x!tpu.dma_semaphore, #tpu.memory_space<semaphore_mem>> -> memref<1x1x!tpu.dma_semaphore, #tpu.memory_space<semaphore_mem>>
      %dma_start3A_291 = tpu.memref_squeeze %dma_start3A_290 : memref<1x1x!tpu.dma_semaphore, #tpu.memory_space<semaphore_mem>> -> memref<!tpu.dma_semaphore, #tpu.memory_space<semaphore_mem>>
      %dma_start3A_292 = arith.constant 0 : i32
      %dma_start3A_293 = arith.constant 0 : i32
      %dma_start3A_294 = tpu.memref_slice %arg9[%rem3A_17, %dma_start3A_288, %dma_start3A_292, %dma_start3A_293] : memref<2x16x20x1024xf32, #tpu.memory_space<vmem>> -> memref<1x1x20x1024xf32, #tpu.memory_space<vmem>>
      %dma_start3A_295 = tpu.memref_squeeze %dma_start3A_294 : memref<1x1x20x1024xf32, #tpu.memory_space<vmem>> -> memref<20x1024xf32, #tpu.memory_space<vmem>>
      %dma_start3A_296 = arith.constant 0 : i32
      %dma_start3A_297 = arith.constant 0 : i32
      %dma_start3A_298 = tpu.memref_slice %arg4[%dma_start3A_296, %get3A_287, %dma_start3A_297] : memref<20x1024x1024xf32, #tpu.memory_space<any>> -> memref<20x1x1024xf32, #tpu.memory_space<any>>
      %dma_start3A_299 = tpu.memref_squeeze %dma_start3A_298 : memref<20x1x1024xf32, #tpu.memory_space<any>> -> memref<20x1024xf32, #tpu.memory_space<any>>
      tpu.enqueue_dma source(%dma_start3A_299 : memref<20x1024xf32, #tpu.memory_space<any>>) target(%dma_start3A_295 : memref<20x1024xf32, #tpu.memory_space<vmem>>) target_semaphore(%dma_start3A_291 : memref<!tpu.dma_semaphore, #tpu.memory_space<semaphore_mem>>)
      %mul3A_300 = arith.constant 0 : i32
      %mul3A_301 = arith.constant 16 : i32
      %mul3A_302 = arith.muli %mul3A_300, %mul3A_301 : i32
      %add3A_303 = arith.constant 15 : i32
      %add3A_304 = arith.addi %mul3A_302, %add3A_303 : i32
      %get3A_305 = arith.index_cast %add3A_304 : i32 to index
      %get3A_306 = memref.load %arg1[%get3A_305] : memref<1088xi32, #tpu.memory_space<smem>>
      %dma_start3A_307 = arith.constant 15 : i32
      %dma_start3A_308 = arith.constant 15 : i32
      %dma_start3A_309 = tpu.memref_slice %arg11[%rem3A_17, %dma_start3A_308] : memref<2x16x!tpu.dma_semaphore, #tpu.memory_space<semaphore_mem>> -> memref<1x1x!tpu.dma_semaphore, #tpu.memory_space<semaphore_mem>>
      %dma_start3A_310 = tpu.memref_squeeze %dma_start3A_309 : memref<1x1x!tpu.dma_semaphore, #tpu.memory_space<semaphore_mem>> -> memref<!tpu.dma_semaphore, #tpu.memory_space<semaphore_mem>>
      %dma_start3A_311 = arith.constant 0 : i32
      %dma_start3A_312 = arith.constant 0 : i32
      %dma_start3A_313 = tpu.memref_slice %arg9[%rem3A_17, %dma_start3A_307, %dma_start3A_311, %dma_start3A_312] : memref<2x16x20x1024xf32, #tpu.memory_space<vmem>> -> memref<1x1x20x1024xf32, #tpu.memory_space<vmem>>
      %dma_start3A_314 = tpu.memref_squeeze %dma_start3A_313 : memref<1x1x20x1024xf32, #tpu.memory_space<vmem>> -> memref<20x1024xf32, #tpu.memory_space<vmem>>
      %dma_start3A_315 = arith.constant 0 : i32
      %dma_start3A_316 = arith.constant 0 : i32
      %dma_start3A_317 = tpu.memref_slice %arg4[%dma_start3A_315, %get3A_306, %dma_start3A_316] : memref<20x1024x1024xf32, #tpu.memory_space<any>> -> memref<20x1x1024xf32, #tpu.memory_space<any>>
      %dma_start3A_318 = tpu.memref_squeeze %dma_start3A_317 : memref<20x1x1024xf32, #tpu.memory_space<any>> -> memref<20x1024xf32, #tpu.memory_space<any>>
      tpu.enqueue_dma source(%dma_start3A_318 : memref<20x1024xf32, #tpu.memory_space<any>>) target(%dma_start3A_314 : memref<20x1024xf32, #tpu.memory_space<vmem>>) target_semaphore(%dma_start3A_310 : memref<!tpu.dma_semaphore, #tpu.memory_space<semaphore_mem>>)
    } else {
    }
    %add3A = arith.constant 1 : i32
    %add3A_2 = arith.addi %arg0, %add3A : i32
    %lt3A = arith.constant 68 : i32
    %lt3A_3 = arith.cmpi slt, %add3A_2, %lt3A : i32
    %convert_element_type3A_4 = arith.extui %lt3A_3 : i1 to i32
    %cond3A_5 = arith.constant 0 : i32
    %cond3A_6 = arith.cmpi ne, %convert_element_type3A_4, %cond3A_5 : i32
    scf.if %cond3A_6 {
      %add3A_16 = arith.constant 1 : i32
      %add3A_17 = arith.addi %arg0, %add3A_16 : i32
      %rem3A = arith.constant 2 : i32
      %rem3A_18 = arith.remsi %add3A_17, %rem3A : i32
      %mul3A = arith.constant 16 : i32
      %mul3A_19 = arith.muli %add3A_17, %mul3A : i32
      %add3A_20 = arith.constant 0 : i32
      %add3A_21 = arith.addi %mul3A_19, %add3A_20 : i32
      %get3A = arith.index_cast %add3A_21 : i32 to index
      %get3A_22 = memref.load %arg1[%get3A] : memref<1088xi32, #tpu.memory_space<smem>>
      %dma_start3A = arith.constant 0 : i32
      %dma_start3A_23 = arith.constant 0 : i32
      %dma_start3A_24 = tpu.memref_slice %arg11[%rem3A_18, %dma_start3A_23] : memref<2x16x!tpu.dma_semaphore, #tpu.memory_space<semaphore_mem>> -> memref<1x1x!tpu.dma_semaphore, #tpu.memory_space<semaphore_mem>>
      %dma_start3A_25 = tpu.memref_squeeze %dma_start3A_24 : memref<1x1x!tpu.dma_semaphore, #tpu.memory_space<semaphore_mem>> -> memref<!tpu.dma_semaphore, #tpu.memory_space<semaphore_mem>>
      %dma_start3A_26 = arith.constant 0 : i32
      %dma_start3A_27 = arith.constant 0 : i32
      %dma_start3A_28 = tpu.memref_slice %arg9[%rem3A_18, %dma_start3A, %dma_start3A_26, %dma_start3A_27] : memref<2x16x20x1024xf32, #tpu.memory_space<vmem>> -> memref<1x1x20x1024xf32, #tpu.memory_space<vmem>>
      %dma_start3A_29 = tpu.memref_squeeze %dma_start3A_28 : memref<1x1x20x1024xf32, #tpu.memory_space<vmem>> -> memref<20x1024xf32, #tpu.memory_space<vmem>>
      %dma_start3A_30 = arith.constant 0 : i32
      %dma_start3A_31 = arith.constant 0 : i32
      %dma_start3A_32 = tpu.memref_slice %arg4[%dma_start3A_30, %get3A_22, %dma_start3A_31] : memref<20x1024x1024xf32, #tpu.memory_space<any>> -> memref<20x1x1024xf32, #tpu.memory_space<any>>
      %dma_start3A_33 = tpu.memref_squeeze %dma_start3A_32 : memref<20x1x1024xf32, #tpu.memory_space<any>> -> memref<20x1024xf32, #tpu.memory_space<any>>
      tpu.enqueue_dma source(%dma_start3A_33 : memref<20x1024xf32, #tpu.memory_space<any>>) target(%dma_start3A_29 : memref<20x1024xf32, #tpu.memory_space<vmem>>) target_semaphore(%dma_start3A_25 : memref<!tpu.dma_semaphore, #tpu.memory_space<semaphore_mem>>)
      %mul3A_34 = arith.constant 16 : i32
      %mul3A_35 = arith.muli %add3A_17, %mul3A_34 : i32
      %add3A_36 = arith.constant 1 : i32
      %add3A_37 = arith.addi %mul3A_35, %add3A_36 : i32
      %get3A_38 = arith.index_cast %add3A_37 : i32 to index
      %get3A_39 = memref.load %arg1[%get3A_38] : memref<1088xi32, #tpu.memory_space<smem>>
      %dma_start3A_40 = arith.constant 1 : i32
      %dma_start3A_41 = arith.constant 1 : i32
      %dma_start3A_42 = tpu.memref_slice %arg11[%rem3A_18, %dma_start3A_41] : memref<2x16x!tpu.dma_semaphore, #tpu.memory_space<semaphore_mem>> -> memref<1x1x!tpu.dma_semaphore, #tpu.memory_space<semaphore_mem>>
      %dma_start3A_43 = tpu.memref_squeeze %dma_start3A_42 : memref<1x1x!tpu.dma_semaphore, #tpu.memory_space<semaphore_mem>> -> memref<!tpu.dma_semaphore, #tpu.memory_space<semaphore_mem>>
      %dma_start3A_44 = arith.constant 0 : i32
      %dma_start3A_45 = arith.constant 0 : i32
      %dma_start3A_46 = tpu.memref_slice %arg9[%rem3A_18, %dma_start3A_40, %dma_start3A_44, %dma_start3A_45] : memref<2x16x20x1024xf32, #tpu.memory_space<vmem>> -> memref<1x1x20x1024xf32, #tpu.memory_space<vmem>>
      %dma_start3A_47 = tpu.memref_squeeze %dma_start3A_46 : memref<1x1x20x1024xf32, #tpu.memory_space<vmem>> -> memref<20x1024xf32, #tpu.memory_space<vmem>>
      %dma_start3A_48 = arith.constant 0 : i32
      %dma_start3A_49 = arith.constant 0 : i32
      %dma_start3A_50 = tpu.memref_slice %arg4[%dma_start3A_48, %get3A_39, %dma_start3A_49] : memref<20x1024x1024xf32, #tpu.memory_space<any>> -> memref<20x1x1024xf32, #tpu.memory_space<any>>
      %dma_start3A_51 = tpu.memref_squeeze %dma_start3A_50 : memref<20x1x1024xf32, #tpu.memory_space<any>> -> memref<20x1024xf32, #tpu.memory_space<any>>
      tpu.enqueue_dma source(%dma_start3A_51 : memref<20x1024xf32, #tpu.memory_space<any>>) target(%dma_start3A_47 : memref<20x1024xf32, #tpu.memory_space<vmem>>) target_semaphore(%dma_start3A_43 : memref<!tpu.dma_semaphore, #tpu.memory_space<semaphore_mem>>)
      %mul3A_52 = arith.constant 16 : i32
      %mul3A_53 = arith.muli %add3A_17, %mul3A_52 : i32
      %add3A_54 = arith.constant 2 : i32
      %add3A_55 = arith.addi %mul3A_53, %add3A_54 : i32
      %get3A_56 = arith.index_cast %add3A_55 : i32 to index
      %get3A_57 = memref.load %arg1[%get3A_56] : memref<1088xi32, #tpu.memory_space<smem>>
      %dma_start3A_58 = arith.constant 2 : i32
      %dma_start3A_59 = arith.constant 2 : i32
      %dma_start3A_60 = tpu.memref_slice %arg11[%rem3A_18, %dma_start3A_59] : memref<2x16x!tpu.dma_semaphore, #tpu.memory_space<semaphore_mem>> -> memref<1x1x!tpu.dma_semaphore, #tpu.memory_space<semaphore_mem>>
      %dma_start3A_61 = tpu.memref_squeeze %dma_start3A_60 : memref<1x1x!tpu.dma_semaphore, #tpu.memory_space<semaphore_mem>> -> memref<!tpu.dma_semaphore, #tpu.memory_space<semaphore_mem>>
      %dma_start3A_62 = arith.constant 0 : i32
      %dma_start3A_63 = arith.constant 0 : i32
      %dma_start3A_64 = tpu.memref_slice %arg9[%rem3A_18, %dma_start3A_58, %dma_start3A_62, %dma_start3A_63] : memref<2x16x20x1024xf32, #tpu.memory_space<vmem>> -> memref<1x1x20x1024xf32, #tpu.memory_space<vmem>>
      %dma_start3A_65 = tpu.memref_squeeze %dma_start3A_64 : memref<1x1x20x1024xf32, #tpu.memory_space<vmem>> -> memref<20x1024xf32, #tpu.memory_space<vmem>>
      %dma_start3A_66 = arith.constant 0 : i32
      %dma_start3A_67 = arith.constant 0 : i32
      %dma_start3A_68 = tpu.memref_slice %arg4[%dma_start3A_66, %get3A_57, %dma_start3A_67] : memref<20x1024x1024xf32, #tpu.memory_space<any>> -> memref<20x1x1024xf32, #tpu.memory_space<any>>
      %dma_start3A_69 = tpu.memref_squeeze %dma_start3A_68 : memref<20x1x1024xf32, #tpu.memory_space<any>> -> memref<20x1024xf32, #tpu.memory_space<any>>
      tpu.enqueue_dma source(%dma_start3A_69 : memref<20x1024xf32, #tpu.memory_space<any>>) target(%dma_start3A_65 : memref<20x1024xf32, #tpu.memory_space<vmem>>) target_semaphore(%dma_start3A_61 : memref<!tpu.dma_semaphore, #tpu.memory_space<semaphore_mem>>)
      %mul3A_70 = arith.constant 16 : i32
      %mul3A_71 = arith.muli %add3A_17, %mul3A_70 : i32
      %add3A_72 = arith.constant 3 : i32
      %add3A_73 = arith.addi %mul3A_71, %add3A_72 : i32
      %get3A_74 = arith.index_cast %add3A_73 : i32 to index
      %get3A_75 = memref.load %arg1[%get3A_74] : memref<1088xi32, #tpu.memory_space<smem>>
      %dma_start3A_76 = arith.constant 3 : i32
      %dma_start3A_77 = arith.constant 3 : i32
      %dma_start3A_78 = tpu.memref_slice %arg11[%rem3A_18, %dma_start3A_77] : memref<2x16x!tpu.dma_semaphore, #tpu.memory_space<semaphore_mem>> -> memref<1x1x!tpu.dma_semaphore, #tpu.memory_space<semaphore_mem>>
      %dma_start3A_79 = tpu.memref_squeeze %dma_start3A_78 : memref<1x1x!tpu.dma_semaphore, #tpu.memory_space<semaphore_mem>> -> memref<!tpu.dma_semaphore, #tpu.memory_space<semaphore_mem>>
      %dma_start3A_80 = arith.constant 0 : i32
      %dma_start3A_81 = arith.constant 0 : i32
      %dma_start3A_82 = tpu.memref_slice %arg9[%rem3A_18, %dma_start3A_76, %dma_start3A_80, %dma_start3A_81] : memref<2x16x20x1024xf32, #tpu.memory_space<vmem>> -> memref<1x1x20x1024xf32, #tpu.memory_space<vmem>>
      %dma_start3A_83 = tpu.memref_squeeze %dma_start3A_82 : memref<1x1x20x1024xf32, #tpu.memory_space<vmem>> -> memref<20x1024xf32, #tpu.memory_space<vmem>>
      %dma_start3A_84 = arith.constant 0 : i32
      %dma_start3A_85 = arith.constant 0 : i32
      %dma_start3A_86 = tpu.memref_slice %arg4[%dma_start3A_84, %get3A_75, %dma_start3A_85] : memref<20x1024x1024xf32, #tpu.memory_space<any>> -> memref<20x1x1024xf32, #tpu.memory_space<any>>
      %dma_start3A_87 = tpu.memref_squeeze %dma_start3A_86 : memref<20x1x1024xf32, #tpu.memory_space<any>> -> memref<20x1024xf32, #tpu.memory_space<any>>
      tpu.enqueue_dma source(%dma_start3A_87 : memref<20x1024xf32, #tpu.memory_space<any>>) target(%dma_start3A_83 : memref<20x1024xf32, #tpu.memory_space<vmem>>) target_semaphore(%dma_start3A_79 : memref<!tpu.dma_semaphore, #tpu.memory_space<semaphore_mem>>)
      %mul3A_88 = arith.constant 16 : i32
      %mul3A_89 = arith.muli %add3A_17, %mul3A_88 : i32
      %add3A_90 = arith.constant 4 : i32
      %add3A_91 = arith.addi %mul3A_89, %add3A_90 : i32
      %get3A_92 = arith.index_cast %add3A_91 : i32 to index
      %get3A_93 = memref.load %arg1[%get3A_92] : memref<1088xi32, #tpu.memory_space<smem>>
      %dma_start3A_94 = arith.constant 4 : i32
      %dma_start3A_95 = arith.constant 4 : i32
      %dma_start3A_96 = tpu.memref_slice %arg11[%rem3A_18, %dma_start3A_95] : memref<2x16x!tpu.dma_semaphore, #tpu.memory_space<semaphore_mem>> -> memref<1x1x!tpu.dma_semaphore, #tpu.memory_space<semaphore_mem>>
      %dma_start3A_97 = tpu.memref_squeeze %dma_start3A_96 : memref<1x1x!tpu.dma_semaphore, #tpu.memory_space<semaphore_mem>> -> memref<!tpu.dma_semaphore, #tpu.memory_space<semaphore_mem>>
      %dma_start3A_98 = arith.constant 0 : i32
      %dma_start3A_99 = arith.constant 0 : i32
      %dma_start3A_100 = tpu.memref_slice %arg9[%rem3A_18, %dma_start3A_94, %dma_start3A_98, %dma_start3A_99] : memref<2x16x20x1024xf32, #tpu.memory_space<vmem>> -> memref<1x1x20x1024xf32, #tpu.memory_space<vmem>>
      %dma_start3A_101 = tpu.memref_squeeze %dma_start3A_100 : memref<1x1x20x1024xf32, #tpu.memory_space<vmem>> -> memref<20x1024xf32, #tpu.memory_space<vmem>>
      %dma_start3A_102 = arith.constant 0 : i32
      %dma_start3A_103 = arith.constant 0 : i32
      %dma_start3A_104 = tpu.memref_slice %arg4[%dma_start3A_102, %get3A_93, %dma_start3A_103] : memref<20x1024x1024xf32, #tpu.memory_space<any>> -> memref<20x1x1024xf32, #tpu.memory_space<any>>
      %dma_start3A_105 = tpu.memref_squeeze %dma_start3A_104 : memref<20x1x1024xf32, #tpu.memory_space<any>> -> memref<20x1024xf32, #tpu.memory_space<any>>
      tpu.enqueue_dma source(%dma_start3A_105 : memref<20x1024xf32, #tpu.memory_space<any>>) target(%dma_start3A_101 : memref<20x1024xf32, #tpu.memory_space<vmem>>) target_semaphore(%dma_start3A_97 : memref<!tpu.dma_semaphore, #tpu.memory_space<semaphore_mem>>)
      %mul3A_106 = arith.constant 16 : i32
      %mul3A_107 = arith.muli %add3A_17, %mul3A_106 : i32
      %add3A_108 = arith.constant 5 : i32
      %add3A_109 = arith.addi %mul3A_107, %add3A_108 : i32
      %get3A_110 = arith.index_cast %add3A_109 : i32 to index
      %get3A_111 = memref.load %arg1[%get3A_110] : memref<1088xi32, #tpu.memory_space<smem>>
      %dma_start3A_112 = arith.constant 5 : i32
      %dma_start3A_113 = arith.constant 5 : i32
      %dma_start3A_114 = tpu.memref_slice %arg11[%rem3A_18, %dma_start3A_113] : memref<2x16x!tpu.dma_semaphore, #tpu.memory_space<semaphore_mem>> -> memref<1x1x!tpu.dma_semaphore, #tpu.memory_space<semaphore_mem>>
      %dma_start3A_115 = tpu.memref_squeeze %dma_start3A_114 : memref<1x1x!tpu.dma_semaphore, #tpu.memory_space<semaphore_mem>> -> memref<!tpu.dma_semaphore, #tpu.memory_space<semaphore_mem>>
      %dma_start3A_116 = arith.constant 0 : i32
      %dma_start3A_117 = arith.constant 0 : i32
      %dma_start3A_118 = tpu.memref_slice %arg9[%rem3A_18, %dma_start3A_112, %dma_start3A_116, %dma_start3A_117] : memref<2x16x20x1024xf32, #tpu.memory_space<vmem>> -> memref<1x1x20x1024xf32, #tpu.memory_space<vmem>>
      %dma_start3A_119 = tpu.memref_squeeze %dma_start3A_118 : memref<1x1x20x1024xf32, #tpu.memory_space<vmem>> -> memref<20x1024xf32, #tpu.memory_space<vmem>>
      %dma_start3A_120 = arith.constant 0 : i32
      %dma_start3A_121 = arith.constant 0 : i32
      %dma_start3A_122 = tpu.memref_slice %arg4[%dma_start3A_120, %get3A_111, %dma_start3A_121] : memref<20x1024x1024xf32, #tpu.memory_space<any>> -> memref<20x1x1024xf32, #tpu.memory_space<any>>
      %dma_start3A_123 = tpu.memref_squeeze %dma_start3A_122 : memref<20x1x1024xf32, #tpu.memory_space<any>> -> memref<20x1024xf32, #tpu.memory_space<any>>
      tpu.enqueue_dma source(%dma_start3A_123 : memref<20x1024xf32, #tpu.memory_space<any>>) target(%dma_start3A_119 : memref<20x1024xf32, #tpu.memory_space<vmem>>) target_semaphore(%dma_start3A_115 : memref<!tpu.dma_semaphore, #tpu.memory_space<semaphore_mem>>)
      %mul3A_124 = arith.constant 16 : i32
      %mul3A_125 = arith.muli %add3A_17, %mul3A_124 : i32
      %add3A_126 = arith.constant 6 : i32
      %add3A_127 = arith.addi %mul3A_125, %add3A_126 : i32
      %get3A_128 = arith.index_cast %add3A_127 : i32 to index
      %get3A_129 = memref.load %arg1[%get3A_128] : memref<1088xi32, #tpu.memory_space<smem>>
      %dma_start3A_130 = arith.constant 6 : i32
      %dma_start3A_131 = arith.constant 6 : i32
      %dma_start3A_132 = tpu.memref_slice %arg11[%rem3A_18, %dma_start3A_131] : memref<2x16x!tpu.dma_semaphore, #tpu.memory_space<semaphore_mem>> -> memref<1x1x!tpu.dma_semaphore, #tpu.memory_space<semaphore_mem>>
      %dma_start3A_133 = tpu.memref_squeeze %dma_start3A_132 : memref<1x1x!tpu.dma_semaphore, #tpu.memory_space<semaphore_mem>> -> memref<!tpu.dma_semaphore, #tpu.memory_space<semaphore_mem>>
      %dma_start3A_134 = arith.constant 0 : i32
      %dma_start3A_135 = arith.constant 0 : i32
      %dma_start3A_136 = tpu.memref_slice %arg9[%rem3A_18, %dma_start3A_130, %dma_start3A_134, %dma_start3A_135] : memref<2x16x20x1024xf32, #tpu.memory_space<vmem>> -> memref<1x1x20x1024xf32, #tpu.memory_space<vmem>>
      %dma_start3A_137 = tpu.memref_squeeze %dma_start3A_136 : memref<1x1x20x1024xf32, #tpu.memory_space<vmem>> -> memref<20x1024xf32, #tpu.memory_space<vmem>>
      %dma_start3A_138 = arith.constant 0 : i32
      %dma_start3A_139 = arith.constant 0 : i32
      %dma_start3A_140 = tpu.memref_slice %arg4[%dma_start3A_138, %get3A_129, %dma_start3A_139] : memref<20x1024x1024xf32, #tpu.memory_space<any>> -> memref<20x1x1024xf32, #tpu.memory_space<any>>
      %dma_start3A_141 = tpu.memref_squeeze %dma_start3A_140 : memref<20x1x1024xf32, #tpu.memory_space<any>> -> memref<20x1024xf32, #tpu.memory_space<any>>
      tpu.enqueue_dma source(%dma_start3A_141 : memref<20x1024xf32, #tpu.memory_space<any>>) target(%dma_start3A_137 : memref<20x1024xf32, #tpu.memory_space<vmem>>) target_semaphore(%dma_start3A_133 : memref<!tpu.dma_semaphore, #tpu.memory_space<semaphore_mem>>)
      %mul3A_142 = arith.constant 16 : i32
      %mul3A_143 = arith.muli %add3A_17, %mul3A_142 : i32
      %add3A_144 = arith.constant 7 : i32
      %add3A_145 = arith.addi %mul3A_143, %add3A_144 : i32
      %get3A_146 = arith.index_cast %add3A_145 : i32 to index
      %get3A_147 = memref.load %arg1[%get3A_146] : memref<1088xi32, #tpu.memory_space<smem>>
      %dma_start3A_148 = arith.constant 7 : i32
      %dma_start3A_149 = arith.constant 7 : i32
      %dma_start3A_150 = tpu.memref_slice %arg11[%rem3A_18, %dma_start3A_149] : memref<2x16x!tpu.dma_semaphore, #tpu.memory_space<semaphore_mem>> -> memref<1x1x!tpu.dma_semaphore, #tpu.memory_space<semaphore_mem>>
      %dma_start3A_151 = tpu.memref_squeeze %dma_start3A_150 : memref<1x1x!tpu.dma_semaphore, #tpu.memory_space<semaphore_mem>> -> memref<!tpu.dma_semaphore, #tpu.memory_space<semaphore_mem>>
      %dma_start3A_152 = arith.constant 0 : i32
      %dma_start3A_153 = arith.constant 0 : i32
      %dma_start3A_154 = tpu.memref_slice %arg9[%rem3A_18, %dma_start3A_148, %dma_start3A_152, %dma_start3A_153] : memref<2x16x20x1024xf32, #tpu.memory_space<vmem>> -> memref<1x1x20x1024xf32, #tpu.memory_space<vmem>>
      %dma_start3A_155 = tpu.memref_squeeze %dma_start3A_154 : memref<1x1x20x1024xf32, #tpu.memory_space<vmem>> -> memref<20x1024xf32, #tpu.memory_space<vmem>>
      %dma_start3A_156 = arith.constant 0 : i32
      %dma_start3A_157 = arith.constant 0 : i32
      %dma_start3A_158 = tpu.memref_slice %arg4[%dma_start3A_156, %get3A_147, %dma_start3A_157] : memref<20x1024x1024xf32, #tpu.memory_space<any>> -> memref<20x1x1024xf32, #tpu.memory_space<any>>
      %dma_start3A_159 = tpu.memref_squeeze %dma_start3A_158 : memref<20x1x1024xf32, #tpu.memory_space<any>> -> memref<20x1024xf32, #tpu.memory_space<any>>
      tpu.enqueue_dma source(%dma_start3A_159 : memref<20x1024xf32, #tpu.memory_space<any>>) target(%dma_start3A_155 : memref<20x1024xf32, #tpu.memory_space<vmem>>) target_semaphore(%dma_start3A_151 : memref<!tpu.dma_semaphore, #tpu.memory_space<semaphore_mem>>)
      %mul3A_160 = arith.constant 16 : i32
      %mul3A_161 = arith.muli %add3A_17, %mul3A_160 : i32
      %add3A_162 = arith.constant 8 : i32
      %add3A_163 = arith.addi %mul3A_161, %add3A_162 : i32
      %get3A_164 = arith.index_cast %add3A_163 : i32 to index
      %get3A_165 = memref.load %arg1[%get3A_164] : memref<1088xi32, #tpu.memory_space<smem>>
      %dma_start3A_166 = arith.constant 8 : i32
      %dma_start3A_167 = arith.constant 8 : i32
      %dma_start3A_168 = tpu.memref_slice %arg11[%rem3A_18, %dma_start3A_167] : memref<2x16x!tpu.dma_semaphore, #tpu.memory_space<semaphore_mem>> -> memref<1x1x!tpu.dma_semaphore, #tpu.memory_space<semaphore_mem>>
      %dma_start3A_169 = tpu.memref_squeeze %dma_start3A_168 : memref<1x1x!tpu.dma_semaphore, #tpu.memory_space<semaphore_mem>> -> memref<!tpu.dma_semaphore, #tpu.memory_space<semaphore_mem>>
      %dma_start3A_170 = arith.constant 0 : i32
      %dma_start3A_171 = arith.constant 0 : i32
      %dma_start3A_172 = tpu.memref_slice %arg9[%rem3A_18, %dma_start3A_166, %dma_start3A_170, %dma_start3A_171] : memref<2x16x20x1024xf32, #tpu.memory_space<vmem>> -> memref<1x1x20x1024xf32, #tpu.memory_space<vmem>>
      %dma_start3A_173 = tpu.memref_squeeze %dma_start3A_172 : memref<1x1x20x1024xf32, #tpu.memory_space<vmem>> -> memref<20x1024xf32, #tpu.memory_space<vmem>>
      %dma_start3A_174 = arith.constant 0 : i32
      %dma_start3A_175 = arith.constant 0 : i32
      %dma_start3A_176 = tpu.memref_slice %arg4[%dma_start3A_174, %get3A_165, %dma_start3A_175] : memref<20x1024x1024xf32, #tpu.memory_space<any>> -> memref<20x1x1024xf32, #tpu.memory_space<any>>
      %dma_start3A_177 = tpu.memref_squeeze %dma_start3A_176 : memref<20x1x1024xf32, #tpu.memory_space<any>> -> memref<20x1024xf32, #tpu.memory_space<any>>
      tpu.enqueue_dma source(%dma_start3A_177 : memref<20x1024xf32, #tpu.memory_space<any>>) target(%dma_start3A_173 : memref<20x1024xf32, #tpu.memory_space<vmem>>) target_semaphore(%dma_start3A_169 : memref<!tpu.dma_semaphore, #tpu.memory_space<semaphore_mem>>)
      %mul3A_178 = arith.constant 16 : i32
      %mul3A_179 = arith.muli %add3A_17, %mul3A_178 : i32
      %add3A_180 = arith.constant 9 : i32
      %add3A_181 = arith.addi %mul3A_179, %add3A_180 : i32
      %get3A_182 = arith.index_cast %add3A_181 : i32 to index
      %get3A_183 = memref.load %arg1[%get3A_182] : memref<1088xi32, #tpu.memory_space<smem>>
      %dma_start3A_184 = arith.constant 9 : i32
      %dma_start3A_185 = arith.constant 9 : i32
      %dma_start3A_186 = tpu.memref_slice %arg11[%rem3A_18, %dma_start3A_185] : memref<2x16x!tpu.dma_semaphore, #tpu.memory_space<semaphore_mem>> -> memref<1x1x!tpu.dma_semaphore, #tpu.memory_space<semaphore_mem>>
      %dma_start3A_187 = tpu.memref_squeeze %dma_start3A_186 : memref<1x1x!tpu.dma_semaphore, #tpu.memory_space<semaphore_mem>> -> memref<!tpu.dma_semaphore, #tpu.memory_space<semaphore_mem>>
      %dma_start3A_188 = arith.constant 0 : i32
      %dma_start3A_189 = arith.constant 0 : i32
      %dma_start3A_190 = tpu.memref_slice %arg9[%rem3A_18, %dma_start3A_184, %dma_start3A_188, %dma_start3A_189] : memref<2x16x20x1024xf32, #tpu.memory_space<vmem>> -> memref<1x1x20x1024xf32, #tpu.memory_space<vmem>>
      %dma_start3A_191 = tpu.memref_squeeze %dma_start3A_190 : memref<1x1x20x1024xf32, #tpu.memory_space<vmem>> -> memref<20x1024xf32, #tpu.memory_space<vmem>>
      %dma_start3A_192 = arith.constant 0 : i32
      %dma_start3A_193 = arith.constant 0 : i32
      %dma_start3A_194 = tpu.memref_slice %arg4[%dma_start3A_192, %get3A_183, %dma_start3A_193] : memref<20x1024x1024xf32, #tpu.memory_space<any>> -> memref<20x1x1024xf32, #tpu.memory_space<any>>
      %dma_start3A_195 = tpu.memref_squeeze %dma_start3A_194 : memref<20x1x1024xf32, #tpu.memory_space<any>> -> memref<20x1024xf32, #tpu.memory_space<any>>
      tpu.enqueue_dma source(%dma_start3A_195 : memref<20x1024xf32, #tpu.memory_space<any>>) target(%dma_start3A_191 : memref<20x1024xf32, #tpu.memory_space<vmem>>) target_semaphore(%dma_start3A_187 : memref<!tpu.dma_semaphore, #tpu.memory_space<semaphore_mem>>)
      %mul3A_196 = arith.constant 16 : i32
      %mul3A_197 = arith.muli %add3A_17, %mul3A_196 : i32
      %add3A_198 = arith.constant 10 : i32
      %add3A_199 = arith.addi %mul3A_197, %add3A_198 : i32
      %get3A_200 = arith.index_cast %add3A_199 : i32 to index
      %get3A_201 = memref.load %arg1[%get3A_200] : memref<1088xi32, #tpu.memory_space<smem>>
      %dma_start3A_202 = arith.constant 10 : i32
      %dma_start3A_203 = arith.constant 10 : i32
      %dma_start3A_204 = tpu.memref_slice %arg11[%rem3A_18, %dma_start3A_203] : memref<2x16x!tpu.dma_semaphore, #tpu.memory_space<semaphore_mem>> -> memref<1x1x!tpu.dma_semaphore, #tpu.memory_space<semaphore_mem>>
      %dma_start3A_205 = tpu.memref_squeeze %dma_start3A_204 : memref<1x1x!tpu.dma_semaphore, #tpu.memory_space<semaphore_mem>> -> memref<!tpu.dma_semaphore, #tpu.memory_space<semaphore_mem>>
      %dma_start3A_206 = arith.constant 0 : i32
      %dma_start3A_207 = arith.constant 0 : i32
      %dma_start3A_208 = tpu.memref_slice %arg9[%rem3A_18, %dma_start3A_202, %dma_start3A_206, %dma_start3A_207] : memref<2x16x20x1024xf32, #tpu.memory_space<vmem>> -> memref<1x1x20x1024xf32, #tpu.memory_space<vmem>>
      %dma_start3A_209 = tpu.memref_squeeze %dma_start3A_208 : memref<1x1x20x1024xf32, #tpu.memory_space<vmem>> -> memref<20x1024xf32, #tpu.memory_space<vmem>>
      %dma_start3A_210 = arith.constant 0 : i32
      %dma_start3A_211 = arith.constant 0 : i32
      %dma_start3A_212 = tpu.memref_slice %arg4[%dma_start3A_210, %get3A_201, %dma_start3A_211] : memref<20x1024x1024xf32, #tpu.memory_space<any>> -> memref<20x1x1024xf32, #tpu.memory_space<any>>
      %dma_start3A_213 = tpu.memref_squeeze %dma_start3A_212 : memref<20x1x1024xf32, #tpu.memory_space<any>> -> memref<20x1024xf32, #tpu.memory_space<any>>
      tpu.enqueue_dma source(%dma_start3A_213 : memref<20x1024xf32, #tpu.memory_space<any>>) target(%dma_start3A_209 : memref<20x1024xf32, #tpu.memory_space<vmem>>) target_semaphore(%dma_start3A_205 : memref<!tpu.dma_semaphore, #tpu.memory_space<semaphore_mem>>)
      %mul3A_214 = arith.constant 16 : i32
      %mul3A_215 = arith.muli %add3A_17, %mul3A_214 : i32
      %add3A_216 = arith.constant 11 : i32
      %add3A_217 = arith.addi %mul3A_215, %add3A_216 : i32
      %get3A_218 = arith.index_cast %add3A_217 : i32 to index
      %get3A_219 = memref.load %arg1[%get3A_218] : memref<1088xi32, #tpu.memory_space<smem>>
      %dma_start3A_220 = arith.constant 11 : i32
      %dma_start3A_221 = arith.constant 11 : i32
      %dma_start3A_222 = tpu.memref_slice %arg11[%rem3A_18, %dma_start3A_221] : memref<2x16x!tpu.dma_semaphore, #tpu.memory_space<semaphore_mem>> -> memref<1x1x!tpu.dma_semaphore, #tpu.memory_space<semaphore_mem>>
      %dma_start3A_223 = tpu.memref_squeeze %dma_start3A_222 : memref<1x1x!tpu.dma_semaphore, #tpu.memory_space<semaphore_mem>> -> memref<!tpu.dma_semaphore, #tpu.memory_space<semaphore_mem>>
      %dma_start3A_224 = arith.constant 0 : i32
      %dma_start3A_225 = arith.constant 0 : i32
      %dma_start3A_226 = tpu.memref_slice %arg9[%rem3A_18, %dma_start3A_220, %dma_start3A_224, %dma_start3A_225] : memref<2x16x20x1024xf32, #tpu.memory_space<vmem>> -> memref<1x1x20x1024xf32, #tpu.memory_space<vmem>>
      %dma_start3A_227 = tpu.memref_squeeze %dma_start3A_226 : memref<1x1x20x1024xf32, #tpu.memory_space<vmem>> -> memref<20x1024xf32, #tpu.memory_space<vmem>>
      %dma_start3A_228 = arith.constant 0 : i32
      %dma_start3A_229 = arith.constant 0 : i32
      %dma_start3A_230 = tpu.memref_slice %arg4[%dma_start3A_228, %get3A_219, %dma_start3A_229] : memref<20x1024x1024xf32, #tpu.memory_space<any>> -> memref<20x1x1024xf32, #tpu.memory_space<any>>
      %dma_start3A_231 = tpu.memref_squeeze %dma_start3A_230 : memref<20x1x1024xf32, #tpu.memory_space<any>> -> memref<20x1024xf32, #tpu.memory_space<any>>
      tpu.enqueue_dma source(%dma_start3A_231 : memref<20x1024xf32, #tpu.memory_space<any>>) target(%dma_start3A_227 : memref<20x1024xf32, #tpu.memory_space<vmem>>) target_semaphore(%dma_start3A_223 : memref<!tpu.dma_semaphore, #tpu.memory_space<semaphore_mem>>)
      %mul3A_232 = arith.constant 16 : i32
      %mul3A_233 = arith.muli %add3A_17, %mul3A_232 : i32
      %add3A_234 = arith.constant 12 : i32
      %add3A_235 = arith.addi %mul3A_233, %add3A_234 : i32
      %get3A_236 = arith.index_cast %add3A_235 : i32 to index
      %get3A_237 = memref.load %arg1[%get3A_236] : memref<1088xi32, #tpu.memory_space<smem>>
      %dma_start3A_238 = arith.constant 12 : i32
      %dma_start3A_239 = arith.constant 12 : i32
      %dma_start3A_240 = tpu.memref_slice %arg11[%rem3A_18, %dma_start3A_239] : memref<2x16x!tpu.dma_semaphore, #tpu.memory_space<semaphore_mem>> -> memref<1x1x!tpu.dma_semaphore, #tpu.memory_space<semaphore_mem>>
      %dma_start3A_241 = tpu.memref_squeeze %dma_start3A_240 : memref<1x1x!tpu.dma_semaphore, #tpu.memory_space<semaphore_mem>> -> memref<!tpu.dma_semaphore, #tpu.memory_space<semaphore_mem>>
      %dma_start3A_242 = arith.constant 0 : i32
      %dma_start3A_243 = arith.constant 0 : i32
      %dma_start3A_244 = tpu.memref_slice %arg9[%rem3A_18, %dma_start3A_238, %dma_start3A_242, %dma_start3A_243] : memref<2x16x20x1024xf32, #tpu.memory_space<vmem>> -> memref<1x1x20x1024xf32, #tpu.memory_space<vmem>>
      %dma_start3A_245 = tpu.memref_squeeze %dma_start3A_244 : memref<1x1x20x1024xf32, #tpu.memory_space<vmem>> -> memref<20x1024xf32, #tpu.memory_space<vmem>>
      %dma_start3A_246 = arith.constant 0 : i32
      %dma_start3A_247 = arith.constant 0 : i32
      %dma_start3A_248 = tpu.memref_slice %arg4[%dma_start3A_246, %get3A_237, %dma_start3A_247] : memref<20x1024x1024xf32, #tpu.memory_space<any>> -> memref<20x1x1024xf32, #tpu.memory_space<any>>
      %dma_start3A_249 = tpu.memref_squeeze %dma_start3A_248 : memref<20x1x1024xf32, #tpu.memory_space<any>> -> memref<20x1024xf32, #tpu.memory_space<any>>
      tpu.enqueue_dma source(%dma_start3A_249 : memref<20x1024xf32, #tpu.memory_space<any>>) target(%dma_start3A_245 : memref<20x1024xf32, #tpu.memory_space<vmem>>) target_semaphore(%dma_start3A_241 : memref<!tpu.dma_semaphore, #tpu.memory_space<semaphore_mem>>)
      %mul3A_250 = arith.constant 16 : i32
      %mul3A_251 = arith.muli %add3A_17, %mul3A_250 : i32
      %add3A_252 = arith.constant 13 : i32
      %add3A_253 = arith.addi %mul3A_251, %add3A_252 : i32
      %get3A_254 = arith.index_cast %add3A_253 : i32 to index
      %get3A_255 = memref.load %arg1[%get3A_254] : memref<1088xi32, #tpu.memory_space<smem>>
      %dma_start3A_256 = arith.constant 13 : i32
      %dma_start3A_257 = arith.constant 13 : i32
      %dma_start3A_258 = tpu.memref_slice %arg11[%rem3A_18, %dma_start3A_257] : memref<2x16x!tpu.dma_semaphore, #tpu.memory_space<semaphore_mem>> -> memref<1x1x!tpu.dma_semaphore, #tpu.memory_space<semaphore_mem>>
      %dma_start3A_259 = tpu.memref_squeeze %dma_start3A_258 : memref<1x1x!tpu.dma_semaphore, #tpu.memory_space<semaphore_mem>> -> memref<!tpu.dma_semaphore, #tpu.memory_space<semaphore_mem>>
      %dma_start3A_260 = arith.constant 0 : i32
      %dma_start3A_261 = arith.constant 0 : i32
      %dma_start3A_262 = tpu.memref_slice %arg9[%rem3A_18, %dma_start3A_256, %dma_start3A_260, %dma_start3A_261] : memref<2x16x20x1024xf32, #tpu.memory_space<vmem>> -> memref<1x1x20x1024xf32, #tpu.memory_space<vmem>>
      %dma_start3A_263 = tpu.memref_squeeze %dma_start3A_262 : memref<1x1x20x1024xf32, #tpu.memory_space<vmem>> -> memref<20x1024xf32, #tpu.memory_space<vmem>>
      %dma_start3A_264 = arith.constant 0 : i32
      %dma_start3A_265 = arith.constant 0 : i32
      %dma_start3A_266 = tpu.memref_slice %arg4[%dma_start3A_264, %get3A_255, %dma_start3A_265] : memref<20x1024x1024xf32, #tpu.memory_space<any>> -> memref<20x1x1024xf32, #tpu.memory_space<any>>
      %dma_start3A_267 = tpu.memref_squeeze %dma_start3A_266 : memref<20x1x1024xf32, #tpu.memory_space<any>> -> memref<20x1024xf32, #tpu.memory_space<any>>
      tpu.enqueue_dma source(%dma_start3A_267 : memref<20x1024xf32, #tpu.memory_space<any>>) target(%dma_start3A_263 : memref<20x1024xf32, #tpu.memory_space<vmem>>) target_semaphore(%dma_start3A_259 : memref<!tpu.dma_semaphore, #tpu.memory_space<semaphore_mem>>)
      %mul3A_268 = arith.constant 16 : i32
      %mul3A_269 = arith.muli %add3A_17, %mul3A_268 : i32
      %add3A_270 = arith.constant 14 : i32
      %add3A_271 = arith.addi %mul3A_269, %add3A_270 : i32
      %get3A_272 = arith.index_cast %add3A_271 : i32 to index
      %get3A_273 = memref.load %arg1[%get3A_272] : memref<1088xi32, #tpu.memory_space<smem>>
      %dma_start3A_274 = arith.constant 14 : i32
      %dma_start3A_275 = arith.constant 14 : i32
      %dma_start3A_276 = tpu.memref_slice %arg11[%rem3A_18, %dma_start3A_275] : memref<2x16x!tpu.dma_semaphore, #tpu.memory_space<semaphore_mem>> -> memref<1x1x!tpu.dma_semaphore, #tpu.memory_space<semaphore_mem>>
      %dma_start3A_277 = tpu.memref_squeeze %dma_start3A_276 : memref<1x1x!tpu.dma_semaphore, #tpu.memory_space<semaphore_mem>> -> memref<!tpu.dma_semaphore, #tpu.memory_space<semaphore_mem>>
      %dma_start3A_278 = arith.constant 0 : i32
      %dma_start3A_279 = arith.constant 0 : i32
      %dma_start3A_280 = tpu.memref_slice %arg9[%rem3A_18, %dma_start3A_274, %dma_start3A_278, %dma_start3A_279] : memref<2x16x20x1024xf32, #tpu.memory_space<vmem>> -> memref<1x1x20x1024xf32, #tpu.memory_space<vmem>>
      %dma_start3A_281 = tpu.memref_squeeze %dma_start3A_280 : memref<1x1x20x1024xf32, #tpu.memory_space<vmem>> -> memref<20x1024xf32, #tpu.memory_space<vmem>>
      %dma_start3A_282 = arith.constant 0 : i32
      %dma_start3A_283 = arith.constant 0 : i32
      %dma_start3A_284 = tpu.memref_slice %arg4[%dma_start3A_282, %get3A_273, %dma_start3A_283] : memref<20x1024x1024xf32, #tpu.memory_space<any>> -> memref<20x1x1024xf32, #tpu.memory_space<any>>
      %dma_start3A_285 = tpu.memref_squeeze %dma_start3A_284 : memref<20x1x1024xf32, #tpu.memory_space<any>> -> memref<20x1024xf32, #tpu.memory_space<any>>
      tpu.enqueue_dma source(%dma_start3A_285 : memref<20x1024xf32, #tpu.memory_space<any>>) target(%dma_start3A_281 : memref<20x1024xf32, #tpu.memory_space<vmem>>) target_semaphore(%dma_start3A_277 : memref<!tpu.dma_semaphore, #tpu.memory_space<semaphore_mem>>)
      %mul3A_286 = arith.constant 16 : i32
      %mul3A_287 = arith.muli %add3A_17, %mul3A_286 : i32
      %add3A_288 = arith.constant 15 : i32
      %add3A_289 = arith.addi %mul3A_287, %add3A_288 : i32
      %get3A_290 = arith.index_cast %add3A_289 : i32 to index
      %get3A_291 = memref.load %arg1[%get3A_290] : memref<1088xi32, #tpu.memory_space<smem>>
      %dma_start3A_292 = arith.constant 15 : i32
      %dma_start3A_293 = arith.constant 15 : i32
      %dma_start3A_294 = tpu.memref_slice %arg11[%rem3A_18, %dma_start3A_293] : memref<2x16x!tpu.dma_semaphore, #tpu.memory_space<semaphore_mem>> -> memref<1x1x!tpu.dma_semaphore, #tpu.memory_space<semaphore_mem>>
      %dma_start3A_295 = tpu.memref_squeeze %dma_start3A_294 : memref<1x1x!tpu.dma_semaphore, #tpu.memory_space<semaphore_mem>> -> memref<!tpu.dma_semaphore, #tpu.memory_space<semaphore_mem>>
      %dma_start3A_296 = arith.constant 0 : i32
      %dma_start3A_297 = arith.constant 0 : i32
      %dma_start3A_298 = tpu.memref_slice %arg9[%rem3A_18, %dma_start3A_292, %dma_start3A_296, %dma_start3A_297] : memref<2x16x20x1024xf32, #tpu.memory_space<vmem>> -> memref<1x1x20x1024xf32, #tpu.memory_space<vmem>>
      %dma_start3A_299 = tpu.memref_squeeze %dma_start3A_298 : memref<1x1x20x1024xf32, #tpu.memory_space<vmem>> -> memref<20x1024xf32, #tpu.memory_space<vmem>>
      %dma_start3A_300 = arith.constant 0 : i32
      %dma_start3A_301 = arith.constant 0 : i32
      %dma_start3A_302 = tpu.memref_slice %arg4[%dma_start3A_300, %get3A_291, %dma_start3A_301] : memref<20x1024x1024xf32, #tpu.memory_space<any>> -> memref<20x1x1024xf32, #tpu.memory_space<any>>
      %dma_start3A_303 = tpu.memref_squeeze %dma_start3A_302 : memref<20x1x1024xf32, #tpu.memory_space<any>> -> memref<20x1024xf32, #tpu.memory_space<any>>
      tpu.enqueue_dma source(%dma_start3A_303 : memref<20x1024xf32, #tpu.memory_space<any>>) target(%dma_start3A_299 : memref<20x1024xf32, #tpu.memory_space<vmem>>) target_semaphore(%dma_start3A_295 : memref<!tpu.dma_semaphore, #tpu.memory_space<semaphore_mem>>)
    } else {
    }
    %ge3A = arith.constant 2 : i32
    %ge3A_7 = arith.cmpi sge, %arg0, %ge3A : i32
    %convert_element_type3A_8 = arith.extui %ge3A_7 : i1 to i32
    %cond3A_9 = arith.constant 0 : i32
    %cond3A_10 = arith.cmpi ne, %convert_element_type3A_8, %cond3A_9 : i32
    scf.if %cond3A_10 {
      %sub3A = arith.constant 2 : i32
      %sub3A_16 = arith.subi %arg0, %sub3A : i32
      %rem3A = arith.constant 2 : i32
      %rem3A_17 = arith.remsi %sub3A_16, %rem3A : i32
      %dma_wait3A = arith.constant 0 : i32
      %dma_wait3A_18 = arith.constant 0 : i32
      %dma_wait3A_19 = arith.constant 0 : i32
      %dma_wait3A_20 = tpu.memref_slice %arg12[%rem3A_17, %dma_wait3A_19] : memref<2x16x!tpu.dma_semaphore, #tpu.memory_space<semaphore_mem>> -> memref<1x1x!tpu.dma_semaphore, #tpu.memory_space<semaphore_mem>>
      %dma_wait3A_21 = tpu.memref_squeeze %dma_wait3A_20 : memref<1x1x!tpu.dma_semaphore, #tpu.memory_space<semaphore_mem>> -> memref<!tpu.dma_semaphore, #tpu.memory_space<semaphore_mem>>
      %dma_wait3A_22 = arith.constant 0 : i32
      %dma_wait3A_23 = arith.constant 0 : i32
      %dma_wait3A_24 = tpu.memref_slice %arg7[%dma_wait3A_22, %dma_wait3A_18, %dma_wait3A_23] : memref<20x1024x1024xf32, #tpu.memory_space<any>> -> memref<20x1x1024xf32, #tpu.memory_space<any>>
      %dma_wait3A_25 = tpu.memref_squeeze %dma_wait3A_24 : memref<20x1x1024xf32, #tpu.memory_space<any>> -> memref<20x1024xf32, #tpu.memory_space<any>>
      %dma_wait3A_26 = arith.constant 0 : i32
      %dma_wait3A_27 = arith.constant 0 : i32
      %dma_wait3A_28 = tpu.memref_slice %arg10[%rem3A_17, %dma_wait3A, %dma_wait3A_26, %dma_wait3A_27] : memref<2x16x20x1024xf32, #tpu.memory_space<vmem>> -> memref<1x1x20x1024xf32, #tpu.memory_space<vmem>>
      %dma_wait3A_29 = tpu.memref_squeeze %dma_wait3A_28 : memref<1x1x20x1024xf32, #tpu.memory_space<vmem>> -> memref<20x1024xf32, #tpu.memory_space<vmem>>
      tpu.wait_dma2 semaphore(%dma_wait3A_21 : memref<!tpu.dma_semaphore, #tpu.memory_space<semaphore_mem>>) src(%dma_wait3A_29 : memref<20x1024xf32, #tpu.memory_space<vmem>>) dst(%dma_wait3A_25 : memref<20x1024xf32, #tpu.memory_space<any>>)
      %dma_wait3A_30 = arith.constant 1 : i32
      %dma_wait3A_31 = arith.constant 0 : i32
      %dma_wait3A_32 = arith.constant 1 : i32
      %dma_wait3A_33 = tpu.memref_slice %arg12[%rem3A_17, %dma_wait3A_32] : memref<2x16x!tpu.dma_semaphore, #tpu.memory_space<semaphore_mem>> -> memref<1x1x!tpu.dma_semaphore, #tpu.memory_space<semaphore_mem>>
      %dma_wait3A_34 = tpu.memref_squeeze %dma_wait3A_33 : memref<1x1x!tpu.dma_semaphore, #tpu.memory_space<semaphore_mem>> -> memref<!tpu.dma_semaphore, #tpu.memory_space<semaphore_mem>>
      %dma_wait3A_35 = arith.constant 0 : i32
      %dma_wait3A_36 = arith.constant 0 : i32
      %dma_wait3A_37 = tpu.memref_slice %arg7[%dma_wait3A_35, %dma_wait3A_31, %dma_wait3A_36] : memref<20x1024x1024xf32, #tpu.memory_space<any>> -> memref<20x1x1024xf32, #tpu.memory_space<any>>
      %dma_wait3A_38 = tpu.memref_squeeze %dma_wait3A_37 : memref<20x1x1024xf32, #tpu.memory_space<any>> -> memref<20x1024xf32, #tpu.memory_space<any>>
      %dma_wait3A_39 = arith.constant 0 : i32
      %dma_wait3A_40 = arith.constant 0 : i32
      %dma_wait3A_41 = tpu.memref_slice %arg10[%rem3A_17, %dma_wait3A_30, %dma_wait3A_39, %dma_wait3A_40] : memref<2x16x20x1024xf32, #tpu.memory_space<vmem>> -> memref<1x1x20x1024xf32, #tpu.memory_space<vmem>>
      %dma_wait3A_42 = tpu.memref_squeeze %dma_wait3A_41 : memref<1x1x20x1024xf32, #tpu.memory_space<vmem>> -> memref<20x1024xf32, #tpu.memory_space<vmem>>
      tpu.wait_dma2 semaphore(%dma_wait3A_34 : memref<!tpu.dma_semaphore, #tpu.memory_space<semaphore_mem>>) src(%dma_wait3A_42 : memref<20x1024xf32, #tpu.memory_space<vmem>>) dst(%dma_wait3A_38 : memref<20x1024xf32, #tpu.memory_space<any>>)
      %dma_wait3A_43 = arith.constant 2 : i32
      %dma_wait3A_44 = arith.constant 0 : i32
      %dma_wait3A_45 = arith.constant 2 : i32
      %dma_wait3A_46 = tpu.memref_slice %arg12[%rem3A_17, %dma_wait3A_45] : memref<2x16x!tpu.dma_semaphore, #tpu.memory_space<semaphore_mem>> -> memref<1x1x!tpu.dma_semaphore, #tpu.memory_space<semaphore_mem>>
      %dma_wait3A_47 = tpu.memref_squeeze %dma_wait3A_46 : memref<1x1x!tpu.dma_semaphore, #tpu.memory_space<semaphore_mem>> -> memref<!tpu.dma_semaphore, #tpu.memory_space<semaphore_mem>>
      %dma_wait3A_48 = arith.constant 0 : i32
      %dma_wait3A_49 = arith.constant 0 : i32
      %dma_wait3A_50 = tpu.memref_slice %arg7[%dma_wait3A_48, %dma_wait3A_44, %dma_wait3A_49] : memref<20x1024x1024xf32, #tpu.memory_space<any>> -> memref<20x1x1024xf32, #tpu.memory_space<any>>
      %dma_wait3A_51 = tpu.memref_squeeze %dma_wait3A_50 : memref<20x1x1024xf32, #tpu.memory_space<any>> -> memref<20x1024xf32, #tpu.memory_space<any>>
      %dma_wait3A_52 = arith.constant 0 : i32
      %dma_wait3A_53 = arith.constant 0 : i32
      %dma_wait3A_54 = tpu.memref_slice %arg10[%rem3A_17, %dma_wait3A_43, %dma_wait3A_52, %dma_wait3A_53] : memref<2x16x20x1024xf32, #tpu.memory_space<vmem>> -> memref<1x1x20x1024xf32, #tpu.memory_space<vmem>>
      %dma_wait3A_55 = tpu.memref_squeeze %dma_wait3A_54 : memref<1x1x20x1024xf32, #tpu.memory_space<vmem>> -> memref<20x1024xf32, #tpu.memory_space<vmem>>
      tpu.wait_dma2 semaphore(%dma_wait3A_47 : memref<!tpu.dma_semaphore, #tpu.memory_space<semaphore_mem>>) src(%dma_wait3A_55 : memref<20x1024xf32, #tpu.memory_space<vmem>>) dst(%dma_wait3A_51 : memref<20x1024xf32, #tpu.memory_space<any>>)
      %dma_wait3A_56 = arith.constant 3 : i32
      %dma_wait3A_57 = arith.constant 0 : i32
      %dma_wait3A_58 = arith.constant 3 : i32
      %dma_wait3A_59 = tpu.memref_slice %arg12[%rem3A_17, %dma_wait3A_58] : memref<2x16x!tpu.dma_semaphore, #tpu.memory_space<semaphore_mem>> -> memref<1x1x!tpu.dma_semaphore, #tpu.memory_space<semaphore_mem>>
      %dma_wait3A_60 = tpu.memref_squeeze %dma_wait3A_59 : memref<1x1x!tpu.dma_semaphore, #tpu.memory_space<semaphore_mem>> -> memref<!tpu.dma_semaphore, #tpu.memory_space<semaphore_mem>>
      %dma_wait3A_61 = arith.constant 0 : i32
      %dma_wait3A_62 = arith.constant 0 : i32
      %dma_wait3A_63 = tpu.memref_slice %arg7[%dma_wait3A_61, %dma_wait3A_57, %dma_wait3A_62] : memref<20x1024x1024xf32, #tpu.memory_space<any>> -> memref<20x1x1024xf32, #tpu.memory_space<any>>
      %dma_wait3A_64 = tpu.memref_squeeze %dma_wait3A_63 : memref<20x1x1024xf32, #tpu.memory_space<any>> -> memref<20x1024xf32, #tpu.memory_space<any>>
      %dma_wait3A_65 = arith.constant 0 : i32
      %dma_wait3A_66 = arith.constant 0 : i32
      %dma_wait3A_67 = tpu.memref_slice %arg10[%rem3A_17, %dma_wait3A_56, %dma_wait3A_65, %dma_wait3A_66] : memref<2x16x20x1024xf32, #tpu.memory_space<vmem>> -> memref<1x1x20x1024xf32, #tpu.memory_space<vmem>>
      %dma_wait3A_68 = tpu.memref_squeeze %dma_wait3A_67 : memref<1x1x20x1024xf32, #tpu.memory_space<vmem>> -> memref<20x1024xf32, #tpu.memory_space<vmem>>
      tpu.wait_dma2 semaphore(%dma_wait3A_60 : memref<!tpu.dma_semaphore, #tpu.memory_space<semaphore_mem>>) src(%dma_wait3A_68 : memref<20x1024xf32, #tpu.memory_space<vmem>>) dst(%dma_wait3A_64 : memref<20x1024xf32, #tpu.memory_space<any>>)
      %dma_wait3A_69 = arith.constant 4 : i32
      %dma_wait3A_70 = arith.constant 0 : i32
      %dma_wait3A_71 = arith.constant 4 : i32
      %dma_wait3A_72 = tpu.memref_slice %arg12[%rem3A_17, %dma_wait3A_71] : memref<2x16x!tpu.dma_semaphore, #tpu.memory_space<semaphore_mem>> -> memref<1x1x!tpu.dma_semaphore, #tpu.memory_space<semaphore_mem>>
      %dma_wait3A_73 = tpu.memref_squeeze %dma_wait3A_72 : memref<1x1x!tpu.dma_semaphore, #tpu.memory_space<semaphore_mem>> -> memref<!tpu.dma_semaphore, #tpu.memory_space<semaphore_mem>>
      %dma_wait3A_74 = arith.constant 0 : i32
      %dma_wait3A_75 = arith.constant 0 : i32
      %dma_wait3A_76 = tpu.memref_slice %arg7[%dma_wait3A_74, %dma_wait3A_70, %dma_wait3A_75] : memref<20x1024x1024xf32, #tpu.memory_space<any>> -> memref<20x1x1024xf32, #tpu.memory_space<any>>
      %dma_wait3A_77 = tpu.memref_squeeze %dma_wait3A_76 : memref<20x1x1024xf32, #tpu.memory_space<any>> -> memref<20x1024xf32, #tpu.memory_space<any>>
      %dma_wait3A_78 = arith.constant 0 : i32
      %dma_wait3A_79 = arith.constant 0 : i32
      %dma_wait3A_80 = tpu.memref_slice %arg10[%rem3A_17, %dma_wait3A_69, %dma_wait3A_78, %dma_wait3A_79] : memref<2x16x20x1024xf32, #tpu.memory_space<vmem>> -> memref<1x1x20x1024xf32, #tpu.memory_space<vmem>>
      %dma_wait3A_81 = tpu.memref_squeeze %dma_wait3A_80 : memref<1x1x20x1024xf32, #tpu.memory_space<vmem>> -> memref<20x1024xf32, #tpu.memory_space<vmem>>
      tpu.wait_dma2 semaphore(%dma_wait3A_73 : memref<!tpu.dma_semaphore, #tpu.memory_space<semaphore_mem>>) src(%dma_wait3A_81 : memref<20x1024xf32, #tpu.memory_space<vmem>>) dst(%dma_wait3A_77 : memref<20x1024xf32, #tpu.memory_space<any>>)
      %dma_wait3A_82 = arith.constant 5 : i32
      %dma_wait3A_83 = arith.constant 0 : i32
      %dma_wait3A_84 = arith.constant 5 : i32
      %dma_wait3A_85 = tpu.memref_slice %arg12[%rem3A_17, %dma_wait3A_84] : memref<2x16x!tpu.dma_semaphore, #tpu.memory_space<semaphore_mem>> -> memref<1x1x!tpu.dma_semaphore, #tpu.memory_space<semaphore_mem>>
      %dma_wait3A_86 = tpu.memref_squeeze %dma_wait3A_85 : memref<1x1x!tpu.dma_semaphore, #tpu.memory_space<semaphore_mem>> -> memref<!tpu.dma_semaphore, #tpu.memory_space<semaphore_mem>>
      %dma_wait3A_87 = arith.constant 0 : i32
      %dma_wait3A_88 = arith.constant 0 : i32
      %dma_wait3A_89 = tpu.memref_slice %arg7[%dma_wait3A_87, %dma_wait3A_83, %dma_wait3A_88] : memref<20x1024x1024xf32, #tpu.memory_space<any>> -> memref<20x1x1024xf32, #tpu.memory_space<any>>
      %dma_wait3A_90 = tpu.memref_squeeze %dma_wait3A_89 : memref<20x1x1024xf32, #tpu.memory_space<any>> -> memref<20x1024xf32, #tpu.memory_space<any>>
      %dma_wait3A_91 = arith.constant 0 : i32
      %dma_wait3A_92 = arith.constant 0 : i32
      %dma_wait3A_93 = tpu.memref_slice %arg10[%rem3A_17, %dma_wait3A_82, %dma_wait3A_91, %dma_wait3A_92] : memref<2x16x20x1024xf32, #tpu.memory_space<vmem>> -> memref<1x1x20x1024xf32, #tpu.memory_space<vmem>>
      %dma_wait3A_94 = tpu.memref_squeeze %dma_wait3A_93 : memref<1x1x20x1024xf32, #tpu.memory_space<vmem>> -> memref<20x1024xf32, #tpu.memory_space<vmem>>
      tpu.wait_dma2 semaphore(%dma_wait3A_86 : memref<!tpu.dma_semaphore, #tpu.memory_space<semaphore_mem>>) src(%dma_wait3A_94 : memref<20x1024xf32, #tpu.memory_space<vmem>>) dst(%dma_wait3A_90 : memref<20x1024xf32, #tpu.memory_space<any>>)
      %dma_wait3A_95 = arith.constant 6 : i32
      %dma_wait3A_96 = arith.constant 0 : i32
      %dma_wait3A_97 = arith.constant 6 : i32
      %dma_wait3A_98 = tpu.memref_slice %arg12[%rem3A_17, %dma_wait3A_97] : memref<2x16x!tpu.dma_semaphore, #tpu.memory_space<semaphore_mem>> -> memref<1x1x!tpu.dma_semaphore, #tpu.memory_space<semaphore_mem>>
      %dma_wait3A_99 = tpu.memref_squeeze %dma_wait3A_98 : memref<1x1x!tpu.dma_semaphore, #tpu.memory_space<semaphore_mem>> -> memref<!tpu.dma_semaphore, #tpu.memory_space<semaphore_mem>>
      %dma_wait3A_100 = arith.constant 0 : i32
      %dma_wait3A_101 = arith.constant 0 : i32
      %dma_wait3A_102 = tpu.memref_slice %arg7[%dma_wait3A_100, %dma_wait3A_96, %dma_wait3A_101] : memref<20x1024x1024xf32, #tpu.memory_space<any>> -> memref<20x1x1024xf32, #tpu.memory_space<any>>
      %dma_wait3A_103 = tpu.memref_squeeze %dma_wait3A_102 : memref<20x1x1024xf32, #tpu.memory_space<any>> -> memref<20x1024xf32, #tpu.memory_space<any>>
      %dma_wait3A_104 = arith.constant 0 : i32
      %dma_wait3A_105 = arith.constant 0 : i32
      %dma_wait3A_106 = tpu.memref_slice %arg10[%rem3A_17, %dma_wait3A_95, %dma_wait3A_104, %dma_wait3A_105] : memref<2x16x20x1024xf32, #tpu.memory_space<vmem>> -> memref<1x1x20x1024xf32, #tpu.memory_space<vmem>>
      %dma_wait3A_107 = tpu.memref_squeeze %dma_wait3A_106 : memref<1x1x20x1024xf32, #tpu.memory_space<vmem>> -> memref<20x1024xf32, #tpu.memory_space<vmem>>
      tpu.wait_dma2 semaphore(%dma_wait3A_99 : memref<!tpu.dma_semaphore, #tpu.memory_space<semaphore_mem>>) src(%dma_wait3A_107 : memref<20x1024xf32, #tpu.memory_space<vmem>>) dst(%dma_wait3A_103 : memref<20x1024xf32, #tpu.memory_space<any>>)
      %dma_wait3A_108 = arith.constant 7 : i32
      %dma_wait3A_109 = arith.constant 0 : i32
      %dma_wait3A_110 = arith.constant 7 : i32
      %dma_wait3A_111 = tpu.memref_slice %arg12[%rem3A_17, %dma_wait3A_110] : memref<2x16x!tpu.dma_semaphore, #tpu.memory_space<semaphore_mem>> -> memref<1x1x!tpu.dma_semaphore, #tpu.memory_space<semaphore_mem>>
      %dma_wait3A_112 = tpu.memref_squeeze %dma_wait3A_111 : memref<1x1x!tpu.dma_semaphore, #tpu.memory_space<semaphore_mem>> -> memref<!tpu.dma_semaphore, #tpu.memory_space<semaphore_mem>>
      %dma_wait3A_113 = arith.constant 0 : i32
      %dma_wait3A_114 = arith.constant 0 : i32
      %dma_wait3A_115 = tpu.memref_slice %arg7[%dma_wait3A_113, %dma_wait3A_109, %dma_wait3A_114] : memref<20x1024x1024xf32, #tpu.memory_space<any>> -> memref<20x1x1024xf32, #tpu.memory_space<any>>
      %dma_wait3A_116 = tpu.memref_squeeze %dma_wait3A_115 : memref<20x1x1024xf32, #tpu.memory_space<any>> -> memref<20x1024xf32, #tpu.memory_space<any>>
      %dma_wait3A_117 = arith.constant 0 : i32
      %dma_wait3A_118 = arith.constant 0 : i32
      %dma_wait3A_119 = tpu.memref_slice %arg10[%rem3A_17, %dma_wait3A_108, %dma_wait3A_117, %dma_wait3A_118] : memref<2x16x20x1024xf32, #tpu.memory_space<vmem>> -> memref<1x1x20x1024xf32, #tpu.memory_space<vmem>>
      %dma_wait3A_120 = tpu.memref_squeeze %dma_wait3A_119 : memref<1x1x20x1024xf32, #tpu.memory_space<vmem>> -> memref<20x1024xf32, #tpu.memory_space<vmem>>
      tpu.wait_dma2 semaphore(%dma_wait3A_112 : memref<!tpu.dma_semaphore, #tpu.memory_space<semaphore_mem>>) src(%dma_wait3A_120 : memref<20x1024xf32, #tpu.memory_space<vmem>>) dst(%dma_wait3A_116 : memref<20x1024xf32, #tpu.memory_space<any>>)
      %dma_wait3A_121 = arith.constant 8 : i32
      %dma_wait3A_122 = arith.constant 0 : i32
      %dma_wait3A_123 = arith.constant 8 : i32
      %dma_wait3A_124 = tpu.memref_slice %arg12[%rem3A_17, %dma_wait3A_123] : memref<2x16x!tpu.dma_semaphore, #tpu.memory_space<semaphore_mem>> -> memref<1x1x!tpu.dma_semaphore, #tpu.memory_space<semaphore_mem>>
      %dma_wait3A_125 = tpu.memref_squeeze %dma_wait3A_124 : memref<1x1x!tpu.dma_semaphore, #tpu.memory_space<semaphore_mem>> -> memref<!tpu.dma_semaphore, #tpu.memory_space<semaphore_mem>>
      %dma_wait3A_126 = arith.constant 0 : i32
      %dma_wait3A_127 = arith.constant 0 : i32
      %dma_wait3A_128 = tpu.memref_slice %arg7[%dma_wait3A_126, %dma_wait3A_122, %dma_wait3A_127] : memref<20x1024x1024xf32, #tpu.memory_space<any>> -> memref<20x1x1024xf32, #tpu.memory_space<any>>
      %dma_wait3A_129 = tpu.memref_squeeze %dma_wait3A_128 : memref<20x1x1024xf32, #tpu.memory_space<any>> -> memref<20x1024xf32, #tpu.memory_space<any>>
      %dma_wait3A_130 = arith.constant 0 : i32
      %dma_wait3A_131 = arith.constant 0 : i32
      %dma_wait3A_132 = tpu.memref_slice %arg10[%rem3A_17, %dma_wait3A_121, %dma_wait3A_130, %dma_wait3A_131] : memref<2x16x20x1024xf32, #tpu.memory_space<vmem>> -> memref<1x1x20x1024xf32, #tpu.memory_space<vmem>>
      %dma_wait3A_133 = tpu.memref_squeeze %dma_wait3A_132 : memref<1x1x20x1024xf32, #tpu.memory_space<vmem>> -> memref<20x1024xf32, #tpu.memory_space<vmem>>
      tpu.wait_dma2 semaphore(%dma_wait3A_125 : memref<!tpu.dma_semaphore, #tpu.memory_space<semaphore_mem>>) src(%dma_wait3A_133 : memref<20x1024xf32, #tpu.memory_space<vmem>>) dst(%dma_wait3A_129 : memref<20x1024xf32, #tpu.memory_space<any>>)
      %dma_wait3A_134 = arith.constant 9 : i32
      %dma_wait3A_135 = arith.constant 0 : i32
      %dma_wait3A_136 = arith.constant 9 : i32
      %dma_wait3A_137 = tpu.memref_slice %arg12[%rem3A_17, %dma_wait3A_136] : memref<2x16x!tpu.dma_semaphore, #tpu.memory_space<semaphore_mem>> -> memref<1x1x!tpu.dma_semaphore, #tpu.memory_space<semaphore_mem>>
      %dma_wait3A_138 = tpu.memref_squeeze %dma_wait3A_137 : memref<1x1x!tpu.dma_semaphore, #tpu.memory_space<semaphore_mem>> -> memref<!tpu.dma_semaphore, #tpu.memory_space<semaphore_mem>>
      %dma_wait3A_139 = arith.constant 0 : i32
      %dma_wait3A_140 = arith.constant 0 : i32
      %dma_wait3A_141 = tpu.memref_slice %arg7[%dma_wait3A_139, %dma_wait3A_135, %dma_wait3A_140] : memref<20x1024x1024xf32, #tpu.memory_space<any>> -> memref<20x1x1024xf32, #tpu.memory_space<any>>
      %dma_wait3A_142 = tpu.memref_squeeze %dma_wait3A_141 : memref<20x1x1024xf32, #tpu.memory_space<any>> -> memref<20x1024xf32, #tpu.memory_space<any>>
      %dma_wait3A_143 = arith.constant 0 : i32
      %dma_wait3A_144 = arith.constant 0 : i32
      %dma_wait3A_145 = tpu.memref_slice %arg10[%rem3A_17, %dma_wait3A_134, %dma_wait3A_143, %dma_wait3A_144] : memref<2x16x20x1024xf32, #tpu.memory_space<vmem>> -> memref<1x1x20x1024xf32, #tpu.memory_space<vmem>>
      %dma_wait3A_146 = tpu.memref_squeeze %dma_wait3A_145 : memref<1x1x20x1024xf32, #tpu.memory_space<vmem>> -> memref<20x1024xf32, #tpu.memory_space<vmem>>
      tpu.wait_dma2 semaphore(%dma_wait3A_138 : memref<!tpu.dma_semaphore, #tpu.memory_space<semaphore_mem>>) src(%dma_wait3A_146 : memref<20x1024xf32, #tpu.memory_space<vmem>>) dst(%dma_wait3A_142 : memref<20x1024xf32, #tpu.memory_space<any>>)
      %dma_wait3A_147 = arith.constant 10 : i32
      %dma_wait3A_148 = arith.constant 0 : i32
      %dma_wait3A_149 = arith.constant 10 : i32
      %dma_wait3A_150 = tpu.memref_slice %arg12[%rem3A_17, %dma_wait3A_149] : memref<2x16x!tpu.dma_semaphore, #tpu.memory_space<semaphore_mem>> -> memref<1x1x!tpu.dma_semaphore, #tpu.memory_space<semaphore_mem>>
      %dma_wait3A_151 = tpu.memref_squeeze %dma_wait3A_150 : memref<1x1x!tpu.dma_semaphore, #tpu.memory_space<semaphore_mem>> -> memref<!tpu.dma_semaphore, #tpu.memory_space<semaphore_mem>>
      %dma_wait3A_152 = arith.constant 0 : i32
      %dma_wait3A_153 = arith.constant 0 : i32
      %dma_wait3A_154 = tpu.memref_slice %arg7[%dma_wait3A_152, %dma_wait3A_148, %dma_wait3A_153] : memref<20x1024x1024xf32, #tpu.memory_space<any>> -> memref<20x1x1024xf32, #tpu.memory_space<any>>
      %dma_wait3A_155 = tpu.memref_squeeze %dma_wait3A_154 : memref<20x1x1024xf32, #tpu.memory_space<any>> -> memref<20x1024xf32, #tpu.memory_space<any>>
      %dma_wait3A_156 = arith.constant 0 : i32
      %dma_wait3A_157 = arith.constant 0 : i32
      %dma_wait3A_158 = tpu.memref_slice %arg10[%rem3A_17, %dma_wait3A_147, %dma_wait3A_156, %dma_wait3A_157] : memref<2x16x20x1024xf32, #tpu.memory_space<vmem>> -> memref<1x1x20x1024xf32, #tpu.memory_space<vmem>>
      %dma_wait3A_159 = tpu.memref_squeeze %dma_wait3A_158 : memref<1x1x20x1024xf32, #tpu.memory_space<vmem>> -> memref<20x1024xf32, #tpu.memory_space<vmem>>
      tpu.wait_dma2 semaphore(%dma_wait3A_151 : memref<!tpu.dma_semaphore, #tpu.memory_space<semaphore_mem>>) src(%dma_wait3A_159 : memref<20x1024xf32, #tpu.memory_space<vmem>>) dst(%dma_wait3A_155 : memref<20x1024xf32, #tpu.memory_space<any>>)
      %dma_wait3A_160 = arith.constant 11 : i32
      %dma_wait3A_161 = arith.constant 0 : i32
      %dma_wait3A_162 = arith.constant 11 : i32
      %dma_wait3A_163 = tpu.memref_slice %arg12[%rem3A_17, %dma_wait3A_162] : memref<2x16x!tpu.dma_semaphore, #tpu.memory_space<semaphore_mem>> -> memref<1x1x!tpu.dma_semaphore, #tpu.memory_space<semaphore_mem>>
      %dma_wait3A_164 = tpu.memref_squeeze %dma_wait3A_163 : memref<1x1x!tpu.dma_semaphore, #tpu.memory_space<semaphore_mem>> -> memref<!tpu.dma_semaphore, #tpu.memory_space<semaphore_mem>>
      %dma_wait3A_165 = arith.constant 0 : i32
      %dma_wait3A_166 = arith.constant 0 : i32
      %dma_wait3A_167 = tpu.memref_slice %arg7[%dma_wait3A_165, %dma_wait3A_161, %dma_wait3A_166] : memref<20x1024x1024xf32, #tpu.memory_space<any>> -> memref<20x1x1024xf32, #tpu.memory_space<any>>
      %dma_wait3A_168 = tpu.memref_squeeze %dma_wait3A_167 : memref<20x1x1024xf32, #tpu.memory_space<any>> -> memref<20x1024xf32, #tpu.memory_space<any>>
      %dma_wait3A_169 = arith.constant 0 : i32
      %dma_wait3A_170 = arith.constant 0 : i32
      %dma_wait3A_171 = tpu.memref_slice %arg10[%rem3A_17, %dma_wait3A_160, %dma_wait3A_169, %dma_wait3A_170] : memref<2x16x20x1024xf32, #tpu.memory_space<vmem>> -> memref<1x1x20x1024xf32, #tpu.memory_space<vmem>>
      %dma_wait3A_172 = tpu.memref_squeeze %dma_wait3A_171 : memref<1x1x20x1024xf32, #tpu.memory_space<vmem>> -> memref<20x1024xf32, #tpu.memory_space<vmem>>
      tpu.wait_dma2 semaphore(%dma_wait3A_164 : memref<!tpu.dma_semaphore, #tpu.memory_space<semaphore_mem>>) src(%dma_wait3A_172 : memref<20x1024xf32, #tpu.memory_space<vmem>>) dst(%dma_wait3A_168 : memref<20x1024xf32, #tpu.memory_space<any>>)
      %dma_wait3A_173 = arith.constant 12 : i32
      %dma_wait3A_174 = arith.constant 0 : i32
      %dma_wait3A_175 = arith.constant 12 : i32
      %dma_wait3A_176 = tpu.memref_slice %arg12[%rem3A_17, %dma_wait3A_175] : memref<2x16x!tpu.dma_semaphore, #tpu.memory_space<semaphore_mem>> -> memref<1x1x!tpu.dma_semaphore, #tpu.memory_space<semaphore_mem>>
      %dma_wait3A_177 = tpu.memref_squeeze %dma_wait3A_176 : memref<1x1x!tpu.dma_semaphore, #tpu.memory_space<semaphore_mem>> -> memref<!tpu.dma_semaphore, #tpu.memory_space<semaphore_mem>>
      %dma_wait3A_178 = arith.constant 0 : i32
      %dma_wait3A_179 = arith.constant 0 : i32
      %dma_wait3A_180 = tpu.memref_slice %arg7[%dma_wait3A_178, %dma_wait3A_174, %dma_wait3A_179] : memref<20x1024x1024xf32, #tpu.memory_space<any>> -> memref<20x1x1024xf32, #tpu.memory_space<any>>
      %dma_wait3A_181 = tpu.memref_squeeze %dma_wait3A_180 : memref<20x1x1024xf32, #tpu.memory_space<any>> -> memref<20x1024xf32, #tpu.memory_space<any>>
      %dma_wait3A_182 = arith.constant 0 : i32
      %dma_wait3A_183 = arith.constant 0 : i32
      %dma_wait3A_184 = tpu.memref_slice %arg10[%rem3A_17, %dma_wait3A_173, %dma_wait3A_182, %dma_wait3A_183] : memref<2x16x20x1024xf32, #tpu.memory_space<vmem>> -> memref<1x1x20x1024xf32, #tpu.memory_space<vmem>>
      %dma_wait3A_185 = tpu.memref_squeeze %dma_wait3A_184 : memref<1x1x20x1024xf32, #tpu.memory_space<vmem>> -> memref<20x1024xf32, #tpu.memory_space<vmem>>
      tpu.wait_dma2 semaphore(%dma_wait3A_177 : memref<!tpu.dma_semaphore, #tpu.memory_space<semaphore_mem>>) src(%dma_wait3A_185 : memref<20x1024xf32, #tpu.memory_space<vmem>>) dst(%dma_wait3A_181 : memref<20x1024xf32, #tpu.memory_space<any>>)
      %dma_wait3A_186 = arith.constant 13 : i32
      %dma_wait3A_187 = arith.constant 0 : i32
      %dma_wait3A_188 = arith.constant 13 : i32
      %dma_wait3A_189 = tpu.memref_slice %arg12[%rem3A_17, %dma_wait3A_188] : memref<2x16x!tpu.dma_semaphore, #tpu.memory_space<semaphore_mem>> -> memref<1x1x!tpu.dma_semaphore, #tpu.memory_space<semaphore_mem>>
      %dma_wait3A_190 = tpu.memref_squeeze %dma_wait3A_189 : memref<1x1x!tpu.dma_semaphore, #tpu.memory_space<semaphore_mem>> -> memref<!tpu.dma_semaphore, #tpu.memory_space<semaphore_mem>>
      %dma_wait3A_191 = arith.constant 0 : i32
      %dma_wait3A_192 = arith.constant 0 : i32
      %dma_wait3A_193 = tpu.memref_slice %arg7[%dma_wait3A_191, %dma_wait3A_187, %dma_wait3A_192] : memref<20x1024x1024xf32, #tpu.memory_space<any>> -> memref<20x1x1024xf32, #tpu.memory_space<any>>
      %dma_wait3A_194 = tpu.memref_squeeze %dma_wait3A_193 : memref<20x1x1024xf32, #tpu.memory_space<any>> -> memref<20x1024xf32, #tpu.memory_space<any>>
      %dma_wait3A_195 = arith.constant 0 : i32
      %dma_wait3A_196 = arith.constant 0 : i32
      %dma_wait3A_197 = tpu.memref_slice %arg10[%rem3A_17, %dma_wait3A_186, %dma_wait3A_195, %dma_wait3A_196] : memref<2x16x20x1024xf32, #tpu.memory_space<vmem>> -> memref<1x1x20x1024xf32, #tpu.memory_space<vmem>>
      %dma_wait3A_198 = tpu.memref_squeeze %dma_wait3A_197 : memref<1x1x20x1024xf32, #tpu.memory_space<vmem>> -> memref<20x1024xf32, #tpu.memory_space<vmem>>
      tpu.wait_dma2 semaphore(%dma_wait3A_190 : memref<!tpu.dma_semaphore, #tpu.memory_space<semaphore_mem>>) src(%dma_wait3A_198 : memref<20x1024xf32, #tpu.memory_space<vmem>>) dst(%dma_wait3A_194 : memref<20x1024xf32, #tpu.memory_space<any>>)
      %dma_wait3A_199 = arith.constant 14 : i32
      %dma_wait3A_200 = arith.constant 0 : i32
      %dma_wait3A_201 = arith.constant 14 : i32
      %dma_wait3A_202 = tpu.memref_slice %arg12[%rem3A_17, %dma_wait3A_201] : memref<2x16x!tpu.dma_semaphore, #tpu.memory_space<semaphore_mem>> -> memref<1x1x!tpu.dma_semaphore, #tpu.memory_space<semaphore_mem>>
      %dma_wait3A_203 = tpu.memref_squeeze %dma_wait3A_202 : memref<1x1x!tpu.dma_semaphore, #tpu.memory_space<semaphore_mem>> -> memref<!tpu.dma_semaphore, #tpu.memory_space<semaphore_mem>>
      %dma_wait3A_204 = arith.constant 0 : i32
      %dma_wait3A_205 = arith.constant 0 : i32
      %dma_wait3A_206 = tpu.memref_slice %arg7[%dma_wait3A_204, %dma_wait3A_200, %dma_wait3A_205] : memref<20x1024x1024xf32, #tpu.memory_space<any>> -> memref<20x1x1024xf32, #tpu.memory_space<any>>
      %dma_wait3A_207 = tpu.memref_squeeze %dma_wait3A_206 : memref<20x1x1024xf32, #tpu.memory_space<any>> -> memref<20x1024xf32, #tpu.memory_space<any>>
      %dma_wait3A_208 = arith.constant 0 : i32
      %dma_wait3A_209 = arith.constant 0 : i32
      %dma_wait3A_210 = tpu.memref_slice %arg10[%rem3A_17, %dma_wait3A_199, %dma_wait3A_208, %dma_wait3A_209] : memref<2x16x20x1024xf32, #tpu.memory_space<vmem>> -> memref<1x1x20x1024xf32, #tpu.memory_space<vmem>>
      %dma_wait3A_211 = tpu.memref_squeeze %dma_wait3A_210 : memref<1x1x20x1024xf32, #tpu.memory_space<vmem>> -> memref<20x1024xf32, #tpu.memory_space<vmem>>
      tpu.wait_dma2 semaphore(%dma_wait3A_203 : memref<!tpu.dma_semaphore, #tpu.memory_space<semaphore_mem>>) src(%dma_wait3A_211 : memref<20x1024xf32, #tpu.memory_space<vmem>>) dst(%dma_wait3A_207 : memref<20x1024xf32, #tpu.memory_space<any>>)
      %dma_wait3A_212 = arith.constant 15 : i32
      %dma_wait3A_213 = arith.constant 0 : i32
      %dma_wait3A_214 = arith.constant 15 : i32
      %dma_wait3A_215 = tpu.memref_slice %arg12[%rem3A_17, %dma_wait3A_214] : memref<2x16x!tpu.dma_semaphore, #tpu.memory_space<semaphore_mem>> -> memref<1x1x!tpu.dma_semaphore, #tpu.memory_space<semaphore_mem>>
      %dma_wait3A_216 = tpu.memref_squeeze %dma_wait3A_215 : memref<1x1x!tpu.dma_semaphore, #tpu.memory_space<semaphore_mem>> -> memref<!tpu.dma_semaphore, #tpu.memory_space<semaphore_mem>>
      %dma_wait3A_217 = arith.constant 0 : i32
      %dma_wait3A_218 = arith.constant 0 : i32
      %dma_wait3A_219 = tpu.memref_slice %arg7[%dma_wait3A_217, %dma_wait3A_213, %dma_wait3A_218] : memref<20x1024x1024xf32, #tpu.memory_space<any>> -> memref<20x1x1024xf32, #tpu.memory_space<any>>
      %dma_wait3A_220 = tpu.memref_squeeze %dma_wait3A_219 : memref<20x1x1024xf32, #tpu.memory_space<any>> -> memref<20x1024xf32, #tpu.memory_space<any>>
      %dma_wait3A_221 = arith.constant 0 : i32
      %dma_wait3A_222 = arith.constant 0 : i32
      %dma_wait3A_223 = tpu.memref_slice %arg10[%rem3A_17, %dma_wait3A_212, %dma_wait3A_221, %dma_wait3A_222] : memref<2x16x20x1024xf32, #tpu.memory_space<vmem>> -> memref<1x1x20x1024xf32, #tpu.memory_space<vmem>>
      %dma_wait3A_224 = tpu.memref_squeeze %dma_wait3A_223 : memref<1x1x20x1024xf32, #tpu.memory_space<vmem>> -> memref<20x1024xf32, #tpu.memory_space<vmem>>
      tpu.wait_dma2 semaphore(%dma_wait3A_216 : memref<!tpu.dma_semaphore, #tpu.memory_space<semaphore_mem>>) src(%dma_wait3A_224 : memref<20x1024xf32, #tpu.memory_space<vmem>>) dst(%dma_wait3A_220 : memref<20x1024xf32, #tpu.memory_space<any>>)
    } else {
    }
    %lt3A_11 = arith.constant 68 : i32
    %lt3A_12 = arith.cmpi slt, %arg0, %lt3A_11 : i32
    %convert_element_type3A_13 = arith.extui %lt3A_12 : i1 to i32
    %cond3A_14 = arith.constant 0 : i32
    %cond3A_15 = arith.cmpi ne, %convert_element_type3A_13, %cond3A_14 : i32
    scf.if %cond3A_15 {
      %rem3A = arith.constant 2 : i32
      %rem3A_16 = arith.remsi %arg0, %rem3A : i32
      %rem3A_17 = arith.constant 2 : i32
      %rem3A_18 = arith.remsi %arg0, %rem3A_17 : i32
      %dma_wait3A = arith.constant 0 : i32
      %dma_wait3A_19 = arith.constant 0 : i32
      %dma_wait3A_20 = arith.constant 0 : i32
      %dma_wait3A_21 = tpu.memref_slice %arg11[%rem3A_18, %dma_wait3A_20] : memref<2x16x!tpu.dma_semaphore, #tpu.memory_space<semaphore_mem>> -> memref<1x1x!tpu.dma_semaphore, #tpu.memory_space<semaphore_mem>>
      %dma_wait3A_22 = tpu.memref_squeeze %dma_wait3A_21 : memref<1x1x!tpu.dma_semaphore, #tpu.memory_space<semaphore_mem>> -> memref<!tpu.dma_semaphore, #tpu.memory_space<semaphore_mem>>
      %dma_wait3A_23 = arith.constant 0 : i32
      %dma_wait3A_24 = arith.constant 0 : i32
      %dma_wait3A_25 = tpu.memref_slice %arg9[%rem3A_18, %dma_wait3A_19, %dma_wait3A_23, %dma_wait3A_24] : memref<2x16x20x1024xf32, #tpu.memory_space<vmem>> -> memref<1x1x20x1024xf32, #tpu.memory_space<vmem>>
      %dma_wait3A_26 = tpu.memref_squeeze %dma_wait3A_25 : memref<1x1x20x1024xf32, #tpu.memory_space<vmem>> -> memref<20x1024xf32, #tpu.memory_space<vmem>>
      %dma_wait3A_27 = arith.constant 0 : i32
      %dma_wait3A_28 = arith.constant 0 : i32
      %dma_wait3A_29 = tpu.memref_slice %arg4[%dma_wait3A_27, %dma_wait3A, %dma_wait3A_28] : memref<20x1024x1024xf32, #tpu.memory_space<any>> -> memref<20x1x1024xf32, #tpu.memory_space<any>>
      %dma_wait3A_30 = tpu.memref_squeeze %dma_wait3A_29 : memref<20x1x1024xf32, #tpu.memory_space<any>> -> memref<20x1024xf32, #tpu.memory_space<any>>
      tpu.wait_dma2 semaphore(%dma_wait3A_22 : memref<!tpu.dma_semaphore, #tpu.memory_space<semaphore_mem>>) src(%dma_wait3A_30 : memref<20x1024xf32, #tpu.memory_space<any>>) dst(%dma_wait3A_26 : memref<20x1024xf32, #tpu.memory_space<vmem>>)
      %dma_wait3A_31 = arith.constant 0 : i32
      %dma_wait3A_32 = arith.constant 1 : i32
      %dma_wait3A_33 = arith.constant 1 : i32
      %dma_wait3A_34 = tpu.memref_slice %arg11[%rem3A_18, %dma_wait3A_33] : memref<2x16x!tpu.dma_semaphore, #tpu.memory_space<semaphore_mem>> -> memref<1x1x!tpu.dma_semaphore, #tpu.memory_space<semaphore_mem>>
      %dma_wait3A_35 = tpu.memref_squeeze %dma_wait3A_34 : memref<1x1x!tpu.dma_semaphore, #tpu.memory_space<semaphore_mem>> -> memref<!tpu.dma_semaphore, #tpu.memory_space<semaphore_mem>>
      %dma_wait3A_36 = arith.constant 0 : i32
      %dma_wait3A_37 = arith.constant 0 : i32
      %dma_wait3A_38 = tpu.memref_slice %arg9[%rem3A_18, %dma_wait3A_32, %dma_wait3A_36, %dma_wait3A_37] : memref<2x16x20x1024xf32, #tpu.memory_space<vmem>> -> memref<1x1x20x1024xf32, #tpu.memory_space<vmem>>
      %dma_wait3A_39 = tpu.memref_squeeze %dma_wait3A_38 : memref<1x1x20x1024xf32, #tpu.memory_space<vmem>> -> memref<20x1024xf32, #tpu.memory_space<vmem>>
      %dma_wait3A_40 = arith.constant 0 : i32
      %dma_wait3A_41 = arith.constant 0 : i32
      %dma_wait3A_42 = tpu.memref_slice %arg4[%dma_wait3A_40, %dma_wait3A_31, %dma_wait3A_41] : memref<20x1024x1024xf32, #tpu.memory_space<any>> -> memref<20x1x1024xf32, #tpu.memory_space<any>>
      %dma_wait3A_43 = tpu.memref_squeeze %dma_wait3A_42 : memref<20x1x1024xf32, #tpu.memory_space<any>> -> memref<20x1024xf32, #tpu.memory_space<any>>
      tpu.wait_dma2 semaphore(%dma_wait3A_35 : memref<!tpu.dma_semaphore, #tpu.memory_space<semaphore_mem>>) src(%dma_wait3A_43 : memref<20x1024xf32, #tpu.memory_space<any>>) dst(%dma_wait3A_39 : memref<20x1024xf32, #tpu.memory_space<vmem>>)
      %dma_wait3A_44 = arith.constant 0 : i32
      %dma_wait3A_45 = arith.constant 2 : i32
      %dma_wait3A_46 = arith.constant 2 : i32
      %dma_wait3A_47 = tpu.memref_slice %arg11[%rem3A_18, %dma_wait3A_46] : memref<2x16x!tpu.dma_semaphore, #tpu.memory_space<semaphore_mem>> -> memref<1x1x!tpu.dma_semaphore, #tpu.memory_space<semaphore_mem>>
      %dma_wait3A_48 = tpu.memref_squeeze %dma_wait3A_47 : memref<1x1x!tpu.dma_semaphore, #tpu.memory_space<semaphore_mem>> -> memref<!tpu.dma_semaphore, #tpu.memory_space<semaphore_mem>>
      %dma_wait3A_49 = arith.constant 0 : i32
      %dma_wait3A_50 = arith.constant 0 : i32
      %dma_wait3A_51 = tpu.memref_slice %arg9[%rem3A_18, %dma_wait3A_45, %dma_wait3A_49, %dma_wait3A_50] : memref<2x16x20x1024xf32, #tpu.memory_space<vmem>> -> memref<1x1x20x1024xf32, #tpu.memory_space<vmem>>
      %dma_wait3A_52 = tpu.memref_squeeze %dma_wait3A_51 : memref<1x1x20x1024xf32, #tpu.memory_space<vmem>> -> memref<20x1024xf32, #tpu.memory_space<vmem>>
      %dma_wait3A_53 = arith.constant 0 : i32
      %dma_wait3A_54 = arith.constant 0 : i32
      %dma_wait3A_55 = tpu.memref_slice %arg4[%dma_wait3A_53, %dma_wait3A_44, %dma_wait3A_54] : memref<20x1024x1024xf32, #tpu.memory_space<any>> -> memref<20x1x1024xf32, #tpu.memory_space<any>>
      %dma_wait3A_56 = tpu.memref_squeeze %dma_wait3A_55 : memref<20x1x1024xf32, #tpu.memory_space<any>> -> memref<20x1024xf32, #tpu.memory_space<any>>
      tpu.wait_dma2 semaphore(%dma_wait3A_48 : memref<!tpu.dma_semaphore, #tpu.memory_space<semaphore_mem>>) src(%dma_wait3A_56 : memref<20x1024xf32, #tpu.memory_space<any>>) dst(%dma_wait3A_52 : memref<20x1024xf32, #tpu.memory_space<vmem>>)
      %dma_wait3A_57 = arith.constant 0 : i32
      %dma_wait3A_58 = arith.constant 3 : i32
      %dma_wait3A_59 = arith.constant 3 : i32
      %dma_wait3A_60 = tpu.memref_slice %arg11[%rem3A_18, %dma_wait3A_59] : memref<2x16x!tpu.dma_semaphore, #tpu.memory_space<semaphore_mem>> -> memref<1x1x!tpu.dma_semaphore, #tpu.memory_space<semaphore_mem>>
      %dma_wait3A_61 = tpu.memref_squeeze %dma_wait3A_60 : memref<1x1x!tpu.dma_semaphore, #tpu.memory_space<semaphore_mem>> -> memref<!tpu.dma_semaphore, #tpu.memory_space<semaphore_mem>>
      %dma_wait3A_62 = arith.constant 0 : i32
      %dma_wait3A_63 = arith.constant 0 : i32
      %dma_wait3A_64 = tpu.memref_slice %arg9[%rem3A_18, %dma_wait3A_58, %dma_wait3A_62, %dma_wait3A_63] : memref<2x16x20x1024xf32, #tpu.memory_space<vmem>> -> memref<1x1x20x1024xf32, #tpu.memory_space<vmem>>
      %dma_wait3A_65 = tpu.memref_squeeze %dma_wait3A_64 : memref<1x1x20x1024xf32, #tpu.memory_space<vmem>> -> memref<20x1024xf32, #tpu.memory_space<vmem>>
      %dma_wait3A_66 = arith.constant 0 : i32
      %dma_wait3A_67 = arith.constant 0 : i32
      %dma_wait3A_68 = tpu.memref_slice %arg4[%dma_wait3A_66, %dma_wait3A_57, %dma_wait3A_67] : memref<20x1024x1024xf32, #tpu.memory_space<any>> -> memref<20x1x1024xf32, #tpu.memory_space<any>>
      %dma_wait3A_69 = tpu.memref_squeeze %dma_wait3A_68 : memref<20x1x1024xf32, #tpu.memory_space<any>> -> memref<20x1024xf32, #tpu.memory_space<any>>
      tpu.wait_dma2 semaphore(%dma_wait3A_61 : memref<!tpu.dma_semaphore, #tpu.memory_space<semaphore_mem>>) src(%dma_wait3A_69 : memref<20x1024xf32, #tpu.memory_space<any>>) dst(%dma_wait3A_65 : memref<20x1024xf32, #tpu.memory_space<vmem>>)
      %dma_wait3A_70 = arith.constant 0 : i32
      %dma_wait3A_71 = arith.constant 4 : i32
      %dma_wait3A_72 = arith.constant 4 : i32
      %dma_wait3A_73 = tpu.memref_slice %arg11[%rem3A_18, %dma_wait3A_72] : memref<2x16x!tpu.dma_semaphore, #tpu.memory_space<semaphore_mem>> -> memref<1x1x!tpu.dma_semaphore, #tpu.memory_space<semaphore_mem>>
      %dma_wait3A_74 = tpu.memref_squeeze %dma_wait3A_73 : memref<1x1x!tpu.dma_semaphore, #tpu.memory_space<semaphore_mem>> -> memref<!tpu.dma_semaphore, #tpu.memory_space<semaphore_mem>>
      %dma_wait3A_75 = arith.constant 0 : i32
      %dma_wait3A_76 = arith.constant 0 : i32
      %dma_wait3A_77 = tpu.memref_slice %arg9[%rem3A_18, %dma_wait3A_71, %dma_wait3A_75, %dma_wait3A_76] : memref<2x16x20x1024xf32, #tpu.memory_space<vmem>> -> memref<1x1x20x1024xf32, #tpu.memory_space<vmem>>
      %dma_wait3A_78 = tpu.memref_squeeze %dma_wait3A_77 : memref<1x1x20x1024xf32, #tpu.memory_space<vmem>> -> memref<20x1024xf32, #tpu.memory_space<vmem>>
      %dma_wait3A_79 = arith.constant 0 : i32
      %dma_wait3A_80 = arith.constant 0 : i32
      %dma_wait3A_81 = tpu.memref_slice %arg4[%dma_wait3A_79, %dma_wait3A_70, %dma_wait3A_80] : memref<20x1024x1024xf32, #tpu.memory_space<any>> -> memref<20x1x1024xf32, #tpu.memory_space<any>>
      %dma_wait3A_82 = tpu.memref_squeeze %dma_wait3A_81 : memref<20x1x1024xf32, #tpu.memory_space<any>> -> memref<20x1024xf32, #tpu.memory_space<any>>
      tpu.wait_dma2 semaphore(%dma_wait3A_74 : memref<!tpu.dma_semaphore, #tpu.memory_space<semaphore_mem>>) src(%dma_wait3A_82 : memref<20x1024xf32, #tpu.memory_space<any>>) dst(%dma_wait3A_78 : memref<20x1024xf32, #tpu.memory_space<vmem>>)
      %dma_wait3A_83 = arith.constant 0 : i32
      %dma_wait3A_84 = arith.constant 5 : i32
      %dma_wait3A_85 = arith.constant 5 : i32
      %dma_wait3A_86 = tpu.memref_slice %arg11[%rem3A_18, %dma_wait3A_85] : memref<2x16x!tpu.dma_semaphore, #tpu.memory_space<semaphore_mem>> -> memref<1x1x!tpu.dma_semaphore, #tpu.memory_space<semaphore_mem>>
      %dma_wait3A_87 = tpu.memref_squeeze %dma_wait3A_86 : memref<1x1x!tpu.dma_semaphore, #tpu.memory_space<semaphore_mem>> -> memref<!tpu.dma_semaphore, #tpu.memory_space<semaphore_mem>>
      %dma_wait3A_88 = arith.constant 0 : i32
      %dma_wait3A_89 = arith.constant 0 : i32
      %dma_wait3A_90 = tpu.memref_slice %arg9[%rem3A_18, %dma_wait3A_84, %dma_wait3A_88, %dma_wait3A_89] : memref<2x16x20x1024xf32, #tpu.memory_space<vmem>> -> memref<1x1x20x1024xf32, #tpu.memory_space<vmem>>
      %dma_wait3A_91 = tpu.memref_squeeze %dma_wait3A_90 : memref<1x1x20x1024xf32, #tpu.memory_space<vmem>> -> memref<20x1024xf32, #tpu.memory_space<vmem>>
      %dma_wait3A_92 = arith.constant 0 : i32
      %dma_wait3A_93 = arith.constant 0 : i32
      %dma_wait3A_94 = tpu.memref_slice %arg4[%dma_wait3A_92, %dma_wait3A_83, %dma_wait3A_93] : memref<20x1024x1024xf32, #tpu.memory_space<any>> -> memref<20x1x1024xf32, #tpu.memory_space<any>>
      %dma_wait3A_95 = tpu.memref_squeeze %dma_wait3A_94 : memref<20x1x1024xf32, #tpu.memory_space<any>> -> memref<20x1024xf32, #tpu.memory_space<any>>
      tpu.wait_dma2 semaphore(%dma_wait3A_87 : memref<!tpu.dma_semaphore, #tpu.memory_space<semaphore_mem>>) src(%dma_wait3A_95 : memref<20x1024xf32, #tpu.memory_space<any>>) dst(%dma_wait3A_91 : memref<20x1024xf32, #tpu.memory_space<vmem>>)
      %dma_wait3A_96 = arith.constant 0 : i32
      %dma_wait3A_97 = arith.constant 6 : i32
      %dma_wait3A_98 = arith.constant 6 : i32
      %dma_wait3A_99 = tpu.memref_slice %arg11[%rem3A_18, %dma_wait3A_98] : memref<2x16x!tpu.dma_semaphore, #tpu.memory_space<semaphore_mem>> -> memref<1x1x!tpu.dma_semaphore, #tpu.memory_space<semaphore_mem>>
      %dma_wait3A_100 = tpu.memref_squeeze %dma_wait3A_99 : memref<1x1x!tpu.dma_semaphore, #tpu.memory_space<semaphore_mem>> -> memref<!tpu.dma_semaphore, #tpu.memory_space<semaphore_mem>>
      %dma_wait3A_101 = arith.constant 0 : i32
      %dma_wait3A_102 = arith.constant 0 : i32
      %dma_wait3A_103 = tpu.memref_slice %arg9[%rem3A_18, %dma_wait3A_97, %dma_wait3A_101, %dma_wait3A_102] : memref<2x16x20x1024xf32, #tpu.memory_space<vmem>> -> memref<1x1x20x1024xf32, #tpu.memory_space<vmem>>
      %dma_wait3A_104 = tpu.memref_squeeze %dma_wait3A_103 : memref<1x1x20x1024xf32, #tpu.memory_space<vmem>> -> memref<20x1024xf32, #tpu.memory_space<vmem>>
      %dma_wait3A_105 = arith.constant 0 : i32
      %dma_wait3A_106 = arith.constant 0 : i32
      %dma_wait3A_107 = tpu.memref_slice %arg4[%dma_wait3A_105, %dma_wait3A_96, %dma_wait3A_106] : memref<20x1024x1024xf32, #tpu.memory_space<any>> -> memref<20x1x1024xf32, #tpu.memory_space<any>>
      %dma_wait3A_108 = tpu.memref_squeeze %dma_wait3A_107 : memref<20x1x1024xf32, #tpu.memory_space<any>> -> memref<20x1024xf32, #tpu.memory_space<any>>
      tpu.wait_dma2 semaphore(%dma_wait3A_100 : memref<!tpu.dma_semaphore, #tpu.memory_space<semaphore_mem>>) src(%dma_wait3A_108 : memref<20x1024xf32, #tpu.memory_space<any>>) dst(%dma_wait3A_104 : memref<20x1024xf32, #tpu.memory_space<vmem>>)
      %dma_wait3A_109 = arith.constant 0 : i32
      %dma_wait3A_110 = arith.constant 7 : i32
      %dma_wait3A_111 = arith.constant 7 : i32
      %dma_wait3A_112 = tpu.memref_slice %arg11[%rem3A_18, %dma_wait3A_111] : memref<2x16x!tpu.dma_semaphore, #tpu.memory_space<semaphore_mem>> -> memref<1x1x!tpu.dma_semaphore, #tpu.memory_space<semaphore_mem>>
      %dma_wait3A_113 = tpu.memref_squeeze %dma_wait3A_112 : memref<1x1x!tpu.dma_semaphore, #tpu.memory_space<semaphore_mem>> -> memref<!tpu.dma_semaphore, #tpu.memory_space<semaphore_mem>>
      %dma_wait3A_114 = arith.constant 0 : i32
      %dma_wait3A_115 = arith.constant 0 : i32
      %dma_wait3A_116 = tpu.memref_slice %arg9[%rem3A_18, %dma_wait3A_110, %dma_wait3A_114, %dma_wait3A_115] : memref<2x16x20x1024xf32, #tpu.memory_space<vmem>> -> memref<1x1x20x1024xf32, #tpu.memory_space<vmem>>
      %dma_wait3A_117 = tpu.memref_squeeze %dma_wait3A_116 : memref<1x1x20x1024xf32, #tpu.memory_space<vmem>> -> memref<20x1024xf32, #tpu.memory_space<vmem>>
      %dma_wait3A_118 = arith.constant 0 : i32
      %dma_wait3A_119 = arith.constant 0 : i32
      %dma_wait3A_120 = tpu.memref_slice %arg4[%dma_wait3A_118, %dma_wait3A_109, %dma_wait3A_119] : memref<20x1024x1024xf32, #tpu.memory_space<any>> -> memref<20x1x1024xf32, #tpu.memory_space<any>>
      %dma_wait3A_121 = tpu.memref_squeeze %dma_wait3A_120 : memref<20x1x1024xf32, #tpu.memory_space<any>> -> memref<20x1024xf32, #tpu.memory_space<any>>
      tpu.wait_dma2 semaphore(%dma_wait3A_113 : memref<!tpu.dma_semaphore, #tpu.memory_space<semaphore_mem>>) src(%dma_wait3A_121 : memref<20x1024xf32, #tpu.memory_space<any>>) dst(%dma_wait3A_117 : memref<20x1024xf32, #tpu.memory_space<vmem>>)
      %dma_wait3A_122 = arith.constant 0 : i32
      %dma_wait3A_123 = arith.constant 8 : i32
      %dma_wait3A_124 = arith.constant 8 : i32
      %dma_wait3A_125 = tpu.memref_slice %arg11[%rem3A_18, %dma_wait3A_124] : memref<2x16x!tpu.dma_semaphore, #tpu.memory_space<semaphore_mem>> -> memref<1x1x!tpu.dma_semaphore, #tpu.memory_space<semaphore_mem>>
      %dma_wait3A_126 = tpu.memref_squeeze %dma_wait3A_125 : memref<1x1x!tpu.dma_semaphore, #tpu.memory_space<semaphore_mem>> -> memref<!tpu.dma_semaphore, #tpu.memory_space<semaphore_mem>>
      %dma_wait3A_127 = arith.constant 0 : i32
      %dma_wait3A_128 = arith.constant 0 : i32
      %dma_wait3A_129 = tpu.memref_slice %arg9[%rem3A_18, %dma_wait3A_123, %dma_wait3A_127, %dma_wait3A_128] : memref<2x16x20x1024xf32, #tpu.memory_space<vmem>> -> memref<1x1x20x1024xf32, #tpu.memory_space<vmem>>
      %dma_wait3A_130 = tpu.memref_squeeze %dma_wait3A_129 : memref<1x1x20x1024xf32, #tpu.memory_space<vmem>> -> memref<20x1024xf32, #tpu.memory_space<vmem>>
      %dma_wait3A_131 = arith.constant 0 : i32
      %dma_wait3A_132 = arith.constant 0 : i32
      %dma_wait3A_133 = tpu.memref_slice %arg4[%dma_wait3A_131, %dma_wait3A_122, %dma_wait3A_132] : memref<20x1024x1024xf32, #tpu.memory_space<any>> -> memref<20x1x1024xf32, #tpu.memory_space<any>>
      %dma_wait3A_134 = tpu.memref_squeeze %dma_wait3A_133 : memref<20x1x1024xf32, #tpu.memory_space<any>> -> memref<20x1024xf32, #tpu.memory_space<any>>
      tpu.wait_dma2 semaphore(%dma_wait3A_126 : memref<!tpu.dma_semaphore, #tpu.memory_space<semaphore_mem>>) src(%dma_wait3A_134 : memref<20x1024xf32, #tpu.memory_space<any>>) dst(%dma_wait3A_130 : memref<20x1024xf32, #tpu.memory_space<vmem>>)
      %dma_wait3A_135 = arith.constant 0 : i32
      %dma_wait3A_136 = arith.constant 9 : i32
      %dma_wait3A_137 = arith.constant 9 : i32
      %dma_wait3A_138 = tpu.memref_slice %arg11[%rem3A_18, %dma_wait3A_137] : memref<2x16x!tpu.dma_semaphore, #tpu.memory_space<semaphore_mem>> -> memref<1x1x!tpu.dma_semaphore, #tpu.memory_space<semaphore_mem>>
      %dma_wait3A_139 = tpu.memref_squeeze %dma_wait3A_138 : memref<1x1x!tpu.dma_semaphore, #tpu.memory_space<semaphore_mem>> -> memref<!tpu.dma_semaphore, #tpu.memory_space<semaphore_mem>>
      %dma_wait3A_140 = arith.constant 0 : i32
      %dma_wait3A_141 = arith.constant 0 : i32
      %dma_wait3A_142 = tpu.memref_slice %arg9[%rem3A_18, %dma_wait3A_136, %dma_wait3A_140, %dma_wait3A_141] : memref<2x16x20x1024xf32, #tpu.memory_space<vmem>> -> memref<1x1x20x1024xf32, #tpu.memory_space<vmem>>
      %dma_wait3A_143 = tpu.memref_squeeze %dma_wait3A_142 : memref<1x1x20x1024xf32, #tpu.memory_space<vmem>> -> memref<20x1024xf32, #tpu.memory_space<vmem>>
      %dma_wait3A_144 = arith.constant 0 : i32
      %dma_wait3A_145 = arith.constant 0 : i32
      %dma_wait3A_146 = tpu.memref_slice %arg4[%dma_wait3A_144, %dma_wait3A_135, %dma_wait3A_145] : memref<20x1024x1024xf32, #tpu.memory_space<any>> -> memref<20x1x1024xf32, #tpu.memory_space<any>>
      %dma_wait3A_147 = tpu.memref_squeeze %dma_wait3A_146 : memref<20x1x1024xf32, #tpu.memory_space<any>> -> memref<20x1024xf32, #tpu.memory_space<any>>
      tpu.wait_dma2 semaphore(%dma_wait3A_139 : memref<!tpu.dma_semaphore, #tpu.memory_space<semaphore_mem>>) src(%dma_wait3A_147 : memref<20x1024xf32, #tpu.memory_space<any>>) dst(%dma_wait3A_143 : memref<20x1024xf32, #tpu.memory_space<vmem>>)
      %dma_wait3A_148 = arith.constant 0 : i32
      %dma_wait3A_149 = arith.constant 10 : i32
      %dma_wait3A_150 = arith.constant 10 : i32
      %dma_wait3A_151 = tpu.memref_slice %arg11[%rem3A_18, %dma_wait3A_150] : memref<2x16x!tpu.dma_semaphore, #tpu.memory_space<semaphore_mem>> -> memref<1x1x!tpu.dma_semaphore, #tpu.memory_space<semaphore_mem>>
      %dma_wait3A_152 = tpu.memref_squeeze %dma_wait3A_151 : memref<1x1x!tpu.dma_semaphore, #tpu.memory_space<semaphore_mem>> -> memref<!tpu.dma_semaphore, #tpu.memory_space<semaphore_mem>>
      %dma_wait3A_153 = arith.constant 0 : i32
      %dma_wait3A_154 = arith.constant 0 : i32
      %dma_wait3A_155 = tpu.memref_slice %arg9[%rem3A_18, %dma_wait3A_149, %dma_wait3A_153, %dma_wait3A_154] : memref<2x16x20x1024xf32, #tpu.memory_space<vmem>> -> memref<1x1x20x1024xf32, #tpu.memory_space<vmem>>
      %dma_wait3A_156 = tpu.memref_squeeze %dma_wait3A_155 : memref<1x1x20x1024xf32, #tpu.memory_space<vmem>> -> memref<20x1024xf32, #tpu.memory_space<vmem>>
      %dma_wait3A_157 = arith.constant 0 : i32
      %dma_wait3A_158 = arith.constant 0 : i32
      %dma_wait3A_159 = tpu.memref_slice %arg4[%dma_wait3A_157, %dma_wait3A_148, %dma_wait3A_158] : memref<20x1024x1024xf32, #tpu.memory_space<any>> -> memref<20x1x1024xf32, #tpu.memory_space<any>>
      %dma_wait3A_160 = tpu.memref_squeeze %dma_wait3A_159 : memref<20x1x1024xf32, #tpu.memory_space<any>> -> memref<20x1024xf32, #tpu.memory_space<any>>
      tpu.wait_dma2 semaphore(%dma_wait3A_152 : memref<!tpu.dma_semaphore, #tpu.memory_space<semaphore_mem>>) src(%dma_wait3A_160 : memref<20x1024xf32, #tpu.memory_space<any>>) dst(%dma_wait3A_156 : memref<20x1024xf32, #tpu.memory_space<vmem>>)
      %dma_wait3A_161 = arith.constant 0 : i32
      %dma_wait3A_162 = arith.constant 11 : i32
      %dma_wait3A_163 = arith.constant 11 : i32
      %dma_wait3A_164 = tpu.memref_slice %arg11[%rem3A_18, %dma_wait3A_163] : memref<2x16x!tpu.dma_semaphore, #tpu.memory_space<semaphore_mem>> -> memref<1x1x!tpu.dma_semaphore, #tpu.memory_space<semaphore_mem>>
      %dma_wait3A_165 = tpu.memref_squeeze %dma_wait3A_164 : memref<1x1x!tpu.dma_semaphore, #tpu.memory_space<semaphore_mem>> -> memref<!tpu.dma_semaphore, #tpu.memory_space<semaphore_mem>>
      %dma_wait3A_166 = arith.constant 0 : i32
      %dma_wait3A_167 = arith.constant 0 : i32
      %dma_wait3A_168 = tpu.memref_slice %arg9[%rem3A_18, %dma_wait3A_162, %dma_wait3A_166, %dma_wait3A_167] : memref<2x16x20x1024xf32, #tpu.memory_space<vmem>> -> memref<1x1x20x1024xf32, #tpu.memory_space<vmem>>
      %dma_wait3A_169 = tpu.memref_squeeze %dma_wait3A_168 : memref<1x1x20x1024xf32, #tpu.memory_space<vmem>> -> memref<20x1024xf32, #tpu.memory_space<vmem>>
      %dma_wait3A_170 = arith.constant 0 : i32
      %dma_wait3A_171 = arith.constant 0 : i32
      %dma_wait3A_172 = tpu.memref_slice %arg4[%dma_wait3A_170, %dma_wait3A_161, %dma_wait3A_171] : memref<20x1024x1024xf32, #tpu.memory_space<any>> -> memref<20x1x1024xf32, #tpu.memory_space<any>>
      %dma_wait3A_173 = tpu.memref_squeeze %dma_wait3A_172 : memref<20x1x1024xf32, #tpu.memory_space<any>> -> memref<20x1024xf32, #tpu.memory_space<any>>
      tpu.wait_dma2 semaphore(%dma_wait3A_165 : memref<!tpu.dma_semaphore, #tpu.memory_space<semaphore_mem>>) src(%dma_wait3A_173 : memref<20x1024xf32, #tpu.memory_space<any>>) dst(%dma_wait3A_169 : memref<20x1024xf32, #tpu.memory_space<vmem>>)
      %dma_wait3A_174 = arith.constant 0 : i32
      %dma_wait3A_175 = arith.constant 12 : i32
      %dma_wait3A_176 = arith.constant 12 : i32
      %dma_wait3A_177 = tpu.memref_slice %arg11[%rem3A_18, %dma_wait3A_176] : memref<2x16x!tpu.dma_semaphore, #tpu.memory_space<semaphore_mem>> -> memref<1x1x!tpu.dma_semaphore, #tpu.memory_space<semaphore_mem>>
      %dma_wait3A_178 = tpu.memref_squeeze %dma_wait3A_177 : memref<1x1x!tpu.dma_semaphore, #tpu.memory_space<semaphore_mem>> -> memref<!tpu.dma_semaphore, #tpu.memory_space<semaphore_mem>>
      %dma_wait3A_179 = arith.constant 0 : i32
      %dma_wait3A_180 = arith.constant 0 : i32
      %dma_wait3A_181 = tpu.memref_slice %arg9[%rem3A_18, %dma_wait3A_175, %dma_wait3A_179, %dma_wait3A_180] : memref<2x16x20x1024xf32, #tpu.memory_space<vmem>> -> memref<1x1x20x1024xf32, #tpu.memory_space<vmem>>
      %dma_wait3A_182 = tpu.memref_squeeze %dma_wait3A_181 : memref<1x1x20x1024xf32, #tpu.memory_space<vmem>> -> memref<20x1024xf32, #tpu.memory_space<vmem>>
      %dma_wait3A_183 = arith.constant 0 : i32
      %dma_wait3A_184 = arith.constant 0 : i32
      %dma_wait3A_185 = tpu.memref_slice %arg4[%dma_wait3A_183, %dma_wait3A_174, %dma_wait3A_184] : memref<20x1024x1024xf32, #tpu.memory_space<any>> -> memref<20x1x1024xf32, #tpu.memory_space<any>>
      %dma_wait3A_186 = tpu.memref_squeeze %dma_wait3A_185 : memref<20x1x1024xf32, #tpu.memory_space<any>> -> memref<20x1024xf32, #tpu.memory_space<any>>
      tpu.wait_dma2 semaphore(%dma_wait3A_178 : memref<!tpu.dma_semaphore, #tpu.memory_space<semaphore_mem>>) src(%dma_wait3A_186 : memref<20x1024xf32, #tpu.memory_space<any>>) dst(%dma_wait3A_182 : memref<20x1024xf32, #tpu.memory_space<vmem>>)
      %dma_wait3A_187 = arith.constant 0 : i32
      %dma_wait3A_188 = arith.constant 13 : i32
      %dma_wait3A_189 = arith.constant 13 : i32
      %dma_wait3A_190 = tpu.memref_slice %arg11[%rem3A_18, %dma_wait3A_189] : memref<2x16x!tpu.dma_semaphore, #tpu.memory_space<semaphore_mem>> -> memref<1x1x!tpu.dma_semaphore, #tpu.memory_space<semaphore_mem>>
      %dma_wait3A_191 = tpu.memref_squeeze %dma_wait3A_190 : memref<1x1x!tpu.dma_semaphore, #tpu.memory_space<semaphore_mem>> -> memref<!tpu.dma_semaphore, #tpu.memory_space<semaphore_mem>>
      %dma_wait3A_192 = arith.constant 0 : i32
      %dma_wait3A_193 = arith.constant 0 : i32
      %dma_wait3A_194 = tpu.memref_slice %arg9[%rem3A_18, %dma_wait3A_188, %dma_wait3A_192, %dma_wait3A_193] : memref<2x16x20x1024xf32, #tpu.memory_space<vmem>> -> memref<1x1x20x1024xf32, #tpu.memory_space<vmem>>
      %dma_wait3A_195 = tpu.memref_squeeze %dma_wait3A_194 : memref<1x1x20x1024xf32, #tpu.memory_space<vmem>> -> memref<20x1024xf32, #tpu.memory_space<vmem>>
      %dma_wait3A_196 = arith.constant 0 : i32
      %dma_wait3A_197 = arith.constant 0 : i32
      %dma_wait3A_198 = tpu.memref_slice %arg4[%dma_wait3A_196, %dma_wait3A_187, %dma_wait3A_197] : memref<20x1024x1024xf32, #tpu.memory_space<any>> -> memref<20x1x1024xf32, #tpu.memory_space<any>>
      %dma_wait3A_199 = tpu.memref_squeeze %dma_wait3A_198 : memref<20x1x1024xf32, #tpu.memory_space<any>> -> memref<20x1024xf32, #tpu.memory_space<any>>
      tpu.wait_dma2 semaphore(%dma_wait3A_191 : memref<!tpu.dma_semaphore, #tpu.memory_space<semaphore_mem>>) src(%dma_wait3A_199 : memref<20x1024xf32, #tpu.memory_space<any>>) dst(%dma_wait3A_195 : memref<20x1024xf32, #tpu.memory_space<vmem>>)
      %dma_wait3A_200 = arith.constant 0 : i32
      %dma_wait3A_201 = arith.constant 14 : i32
      %dma_wait3A_202 = arith.constant 14 : i32
      %dma_wait3A_203 = tpu.memref_slice %arg11[%rem3A_18, %dma_wait3A_202] : memref<2x16x!tpu.dma_semaphore, #tpu.memory_space<semaphore_mem>> -> memref<1x1x!tpu.dma_semaphore, #tpu.memory_space<semaphore_mem>>
      %dma_wait3A_204 = tpu.memref_squeeze %dma_wait3A_203 : memref<1x1x!tpu.dma_semaphore, #tpu.memory_space<semaphore_mem>> -> memref<!tpu.dma_semaphore, #tpu.memory_space<semaphore_mem>>
      %dma_wait3A_205 = arith.constant 0 : i32
      %dma_wait3A_206 = arith.constant 0 : i32
      %dma_wait3A_207 = tpu.memref_slice %arg9[%rem3A_18, %dma_wait3A_201, %dma_wait3A_205, %dma_wait3A_206] : memref<2x16x20x1024xf32, #tpu.memory_space<vmem>> -> memref<1x1x20x1024xf32, #tpu.memory_space<vmem>>
      %dma_wait3A_208 = tpu.memref_squeeze %dma_wait3A_207 : memref<1x1x20x1024xf32, #tpu.memory_space<vmem>> -> memref<20x1024xf32, #tpu.memory_space<vmem>>
      %dma_wait3A_209 = arith.constant 0 : i32
      %dma_wait3A_210 = arith.constant 0 : i32
      %dma_wait3A_211 = tpu.memref_slice %arg4[%dma_wait3A_209, %dma_wait3A_200, %dma_wait3A_210] : memref<20x1024x1024xf32, #tpu.memory_space<any>> -> memref<20x1x1024xf32, #tpu.memory_space<any>>
      %dma_wait3A_212 = tpu.memref_squeeze %dma_wait3A_211 : memref<20x1x1024xf32, #tpu.memory_space<any>> -> memref<20x1024xf32, #tpu.memory_space<any>>
      tpu.wait_dma2 semaphore(%dma_wait3A_204 : memref<!tpu.dma_semaphore, #tpu.memory_space<semaphore_mem>>) src(%dma_wait3A_212 : memref<20x1024xf32, #tpu.memory_space<any>>) dst(%dma_wait3A_208 : memref<20x1024xf32, #tpu.memory_space<vmem>>)
      %dma_wait3A_213 = arith.constant 0 : i32
      %dma_wait3A_214 = arith.constant 15 : i32
      %dma_wait3A_215 = arith.constant 15 : i32
      %dma_wait3A_216 = tpu.memref_slice %arg11[%rem3A_18, %dma_wait3A_215] : memref<2x16x!tpu.dma_semaphore, #tpu.memory_space<semaphore_mem>> -> memref<1x1x!tpu.dma_semaphore, #tpu.memory_space<semaphore_mem>>
      %dma_wait3A_217 = tpu.memref_squeeze %dma_wait3A_216 : memref<1x1x!tpu.dma_semaphore, #tpu.memory_space<semaphore_mem>> -> memref<!tpu.dma_semaphore, #tpu.memory_space<semaphore_mem>>
      %dma_wait3A_218 = arith.constant 0 : i32
      %dma_wait3A_219 = arith.constant 0 : i32
      %dma_wait3A_220 = tpu.memref_slice %arg9[%rem3A_18, %dma_wait3A_214, %dma_wait3A_218, %dma_wait3A_219] : memref<2x16x20x1024xf32, #tpu.memory_space<vmem>> -> memref<1x1x20x1024xf32, #tpu.memory_space<vmem>>
      %dma_wait3A_221 = tpu.memref_squeeze %dma_wait3A_220 : memref<1x1x20x1024xf32, #tpu.memory_space<vmem>> -> memref<20x1024xf32, #tpu.memory_space<vmem>>
      %dma_wait3A_222 = arith.constant 0 : i32
      %dma_wait3A_223 = arith.constant 0 : i32
      %dma_wait3A_224 = tpu.memref_slice %arg4[%dma_wait3A_222, %dma_wait3A_213, %dma_wait3A_223] : memref<20x1024x1024xf32, #tpu.memory_space<any>> -> memref<20x1x1024xf32, #tpu.memory_space<any>>
      %dma_wait3A_225 = tpu.memref_squeeze %dma_wait3A_224 : memref<20x1x1024xf32, #tpu.memory_space<any>> -> memref<20x1024xf32, #tpu.memory_space<any>>
      tpu.wait_dma2 semaphore(%dma_wait3A_217 : memref<!tpu.dma_semaphore, #tpu.memory_space<semaphore_mem>>) src(%dma_wait3A_225 : memref<20x1024xf32, #tpu.memory_space<any>>) dst(%dma_wait3A_221 : memref<20x1024xf32, #tpu.memory_space<vmem>>)
      %get3A = arith.index_cast %rem3A_16 : i32 to index
      %get3A_226 = arith.constant 0 : index
      %get3A_227 = arith.constant 0 : index
      %get3A_228 = arith.constant 0 : index
      %get3A_229 = vector.load %arg9[%get3A, %get3A_226, %get3A_227, %get3A_228] : memref<2x16x20x1024xf32, #tpu.memory_space<vmem>>, vector<1x16x20x1024xf32>
      %get3A_230 = vector.shape_cast %get3A_229 : vector<1x16x20x1024xf32> to vector<16x20x1024xf32>
      %convert_element_type3A_231 = arith.truncf %get3A_230 : vector<16x20x1024xf32> to vector<16x20x1024xbf16>
      %get3A_232 = arith.constant 0 : index
      %get3A_233 = arith.constant 0 : index
      %get3A_234 = arith.constant 0 : index
      %get3A_235 = vector.load %arg5[%get3A_232, %get3A_233, %get3A_234] : memref<1x1024x1024xbf16, #tpu.memory_space<vmem>>, vector<1x1024x1024xbf16>
      %get3A_236 = vector.shape_cast %get3A_235 : vector<1x1024x1024xbf16> to vector<1024x1024xbf16>
      %dot_general3A = arith.constant dense<0.000000e+00> : vector<16x20x1024xf32>
      %dot_general3A_237 = tpu.matmul %convert_element_type3A_231, %get3A_236, %dot_general3A {dimension_numbers = #tpu.dot_dimension_numbers<[2], [1], [0, 1], [0], [0, 0, 0, 1, 1, 0], [], []>, transpose_lhs_hint = false} : vector<16x20x1024xbf16>, vector<1024x1024xbf16>, vector<16x20x1024xf32> -> vector<16x20x1024xf32>
      %swap3A = arith.index_cast %rem3A_16 : i32 to index
      %swap3A_238 = arith.constant 0 : index
      %swap3A_239 = arith.constant 0 : index
      %swap3A_240 = arith.constant 0 : index
      %swap3A_241 = vector.load %arg10[%swap3A, %swap3A_238, %swap3A_239, %swap3A_240] : memref<2x16x20x1024xf32, #tpu.memory_space<vmem>>, vector<1x16x20x1024xf32>
      %swap3A_242 = vector.shape_cast %swap3A_241 : vector<1x16x20x1024xf32> to vector<16x20x1024xf32>
      %swap3A_243 = vector.shape_cast %dot_general3A_237 : vector<16x20x1024xf32> to vector<1x16x20x1024xf32>
      tpu.vector_store %arg10[%swap3A, %swap3A_238, %swap3A_239, %swap3A_240], %swap3A_243 {strides = array<i32>} : memref<2x16x20x1024xf32, #tpu.memory_space<vmem>>, vector<1x16x20x1024xf32>,
      %iota3A = tpu.iota {dimensions = array<i32: 0>} : vector<16x20x1024xi32>
      %get3A_244 = arith.constant 0 : index
      %get3A_245 = arith.constant 0 : index
      %get3A_246 = arith.constant 0 : index
      %get3A_247 = vector.load %arg6[%get3A_244, %get3A_245, %get3A_246] : memref<16x20x1024xf32, #tpu.memory_space<vmem>>, vector<16x20x1024xf32>
      %sub3A = arith.subf %dot_general3A_237, %get3A_247 : vector<16x20x1024xf32>
      %get3A_248 = arith.index_cast %arg0 : i32 to index
      %get3A_249 = memref.load %arg3[%get3A_248] : memref<68xi32, #tpu.memory_space<smem>>
      %lt3A_250 = vector.broadcast %get3A_249 : i32 to vector<16x20x1024xi32>
      %lt3A_251 = arith.cmpi slt, %iota3A, %lt3A_250 : vector<16x20x1024xi32>
      %mul3A = arith.mulf %sub3A, %sub3A : vector<16x20x1024xf32>
      %jit3A = arith.constant 0.000000e+00 : f32
      %broadcast_in_dim3A = vector.broadcast %jit3A : f32 to vector<16x20x1024xf32>
      %select_n3A = arith.select %lt3A_251, %mul3A, %broadcast_in_dim3A : vector<16x20x1024xi1>, vector<16x20x1024xf32>
      %reduce_sum3A = vector.shape_cast %select_n3A : vector<16x20x1024xf32> to vector<1x16x20x1024xf32>
      %reduce_sum3A_252 = arith.constant dense<0.000000e+00> : vector<1xf32>
      %reduce_sum3A_253 = vector.multi_reduction <add>, %reduce_sum3A, %reduce_sum3A_252 [1, 2, 3] : vector<1x16x20x1024xf32> to vector<1xf32>
      %reduce_sum3A_254 = vector.shape_cast %reduce_sum3A_253 : vector<1xf32> to vector<1x1x1x1xf32>
      %reduce_sum3A_255 = vector.extract %reduce_sum3A_254[0, 0, 0, 0] : f32 from vector<1x1x1x1xf32>
      %iota3A_256 = tpu.iota {dimensions = array<i32: 2>} : vector<1x1x128xi32>
      %eq3A_257 = arith.constant 0 : i32
      %eq3A_258 = vector.broadcast %eq3A_257 : i32 to vector<1x1x128xi32>
      %eq3A_259 = arith.cmpi eq, %iota3A_256, %eq3A_258 : vector<1x1x128xi32>
      %jit3A_260 = arith.constant 0.000000e+00 : f32
      %broadcast_in_dim3A_261 = vector.broadcast %reduce_sum3A_255 : f32 to vector<1x1x128xf32>
      %broadcast_in_dim3A_262 = vector.broadcast %jit3A_260 : f32 to vector<1x1x128xf32>
      %select_n3A_263 = arith.select %eq3A_259, %broadcast_in_dim3A_261, %broadcast_in_dim3A_262 : vector<1x1x128xi1>, vector<1x1x128xf32>
      %swap3A_264 = arith.constant 0 : index
      %swap3A_265 = arith.constant 0 : index
      %swap3A_266 = arith.constant 0 : index
      %swap3A_267 = vector.load %arg8[%swap3A_264, %swap3A_265, %swap3A_266] : memref<1x1x128xf32, #tpu.memory_space<vmem>>, vector<1x1x128xf32>
      tpu.vector_store %arg8[%swap3A_264, %swap3A_265, %swap3A_266], %select_n3A_263 {strides = array<i32>} : memref<1x1x128xf32, #tpu.memory_space<vmem>>, vector<1x1x128xf32>,
      %rem3A_268 = arith.constant 2 : i32
      %rem3A_269 = arith.remsi %arg0, %rem3A_268 : i32
      %mul3A_270 = arith.constant 16 : i32
      %mul3A_271 = arith.muli %arg0, %mul3A_270 : i32
      %add3A_272 = arith.constant 0 : i32
      %add3A_273 = arith.addi %mul3A_271, %add3A_272 : i32
      %get3A_274 = arith.index_cast %add3A_273 : i32 to index
      %get3A_275 = memref.load %arg1[%get3A_274] : memref<1088xi32, #tpu.memory_space<smem>>
      %dma_start3A = arith.constant 0 : i32
      %dma_start3A_276 = arith.constant 0 : i32
      %dma_start3A_277 = tpu.memref_slice %arg12[%rem3A_269, %dma_start3A_276] : memref<2x16x!tpu.dma_semaphore, #tpu.memory_space<semaphore_mem>> -> memref<1x1x!tpu.dma_semaphore, #tpu.memory_space<semaphore_mem>>
      %dma_start3A_278 = tpu.memref_squeeze %dma_start3A_277 : memref<1x1x!tpu.dma_semaphore, #tpu.memory_space<semaphore_mem>> -> memref<!tpu.dma_semaphore, #tpu.memory_space<semaphore_mem>>
      %dma_start3A_279 = arith.constant 0 : i32
      %dma_start3A_280 = arith.constant 0 : i32
      %dma_start3A_281 = tpu.memref_slice %arg7[%dma_start3A_279, %get3A_275, %dma_start3A_280] : memref<20x1024x1024xf32, #tpu.memory_space<any>> -> memref<20x1x1024xf32, #tpu.memory_space<any>>
      %dma_start3A_282 = tpu.memref_squeeze %dma_start3A_281 : memref<20x1x1024xf32, #tpu.memory_space<any>> -> memref<20x1024xf32, #tpu.memory_space<any>>
      %dma_start3A_283 = arith.constant 0 : i32
      %dma_start3A_284 = arith.constant 0 : i32
      %dma_start3A_285 = tpu.memref_slice %arg10[%rem3A_269, %dma_start3A, %dma_start3A_283, %dma_start3A_284] : memref<2x16x20x1024xf32, #tpu.memory_space<vmem>> -> memref<1x1x20x1024xf32, #tpu.memory_space<vmem>>
      %dma_start3A_286 = tpu.memref_squeeze %dma_start3A_285 : memref<1x1x20x1024xf32, #tpu.memory_space<vmem>> -> memref<20x1024xf32, #tpu.memory_space<vmem>>
      tpu.enqueue_dma source(%dma_start3A_286 : memref<20x1024xf32, #tpu.memory_space<vmem>>) target(%dma_start3A_282 : memref<20x1024xf32, #tpu.memory_space<any>>) target_semaphore(%dma_start3A_278 : memref<!tpu.dma_semaphore, #tpu.memory_space<semaphore_mem>>)
      %mul3A_287 = arith.constant 16 : i32
      %mul3A_288 = arith.muli %arg0, %mul3A_287 : i32
      %add3A_289 = arith.constant 1 : i32
      %add3A_290 = arith.addi %mul3A_288, %add3A_289 : i32
      %get3A_291 = arith.index_cast %add3A_290 : i32 to index
      %get3A_292 = memref.load %arg1[%get3A_291] : memref<1088xi32, #tpu.memory_space<smem>>
      %dma_start3A_293 = arith.constant 1 : i32
      %dma_start3A_294 = arith.constant 1 : i32
      %dma_start3A_295 = tpu.memref_slice %arg12[%rem3A_269, %dma_start3A_294] : memref<2x16x!tpu.dma_semaphore, #tpu.memory_space<semaphore_mem>> -> memref<1x1x!tpu.dma_semaphore, #tpu.memory_space<semaphore_mem>>
      %dma_start3A_296 = tpu.memref_squeeze %dma_start3A_295 : memref<1x1x!tpu.dma_semaphore, #tpu.memory_space<semaphore_mem>> -> memref<!tpu.dma_semaphore, #tpu.memory_space<semaphore_mem>>
      %dma_start3A_297 = arith.constant 0 : i32
      %dma_start3A_298 = arith.constant 0 : i32
      %dma_start3A_299 = tpu.memref_slice %arg7[%dma_start3A_297, %get3A_292, %dma_start3A_298] : memref<20x1024x1024xf32, #tpu.memory_space<any>> -> memref<20x1x1024xf32, #tpu.memory_space<any>>
      %dma_start3A_300 = tpu.memref_squeeze %dma_start3A_299 : memref<20x1x1024xf32, #tpu.memory_space<any>> -> memref<20x1024xf32, #tpu.memory_space<any>>
      %dma_start3A_301 = arith.constant 0 : i32
      %dma_start3A_302 = arith.constant 0 : i32
      %dma_start3A_303 = tpu.memref_slice %arg10[%rem3A_269, %dma_start3A_293, %dma_start3A_301, %dma_start3A_302] : memref<2x16x20x1024xf32, #tpu.memory_space<vmem>> -> memref<1x1x20x1024xf32, #tpu.memory_space<vmem>>
      %dma_start3A_304 = tpu.memref_squeeze %dma_start3A_303 : memref<1x1x20x1024xf32, #tpu.memory_space<vmem>> -> memref<20x1024xf32, #tpu.memory_space<vmem>>
      tpu.enqueue_dma source(%dma_start3A_304 : memref<20x1024xf32, #tpu.memory_space<vmem>>) target(%dma_start3A_300 : memref<20x1024xf32, #tpu.memory_space<any>>) target_semaphore(%dma_start3A_296 : memref<!tpu.dma_semaphore, #tpu.memory_space<semaphore_mem>>)
      %mul3A_305 = arith.constant 16 : i32
      %mul3A_306 = arith.muli %arg0, %mul3A_305 : i32
      %add3A_307 = arith.constant 2 : i32
      %add3A_308 = arith.addi %mul3A_306, %add3A_307 : i32
      %get3A_309 = arith.index_cast %add3A_308 : i32 to index
      %get3A_310 = memref.load %arg1[%get3A_309] : memref<1088xi32, #tpu.memory_space<smem>>
      %dma_start3A_311 = arith.constant 2 : i32
      %dma_start3A_312 = arith.constant 2 : i32
      %dma_start3A_313 = tpu.memref_slice %arg12[%rem3A_269, %dma_start3A_312] : memref<2x16x!tpu.dma_semaphore, #tpu.memory_space<semaphore_mem>> -> memref<1x1x!tpu.dma_semaphore, #tpu.memory_space<semaphore_mem>>
      %dma_start3A_314 = tpu.memref_squeeze %dma_start3A_313 : memref<1x1x!tpu.dma_semaphore, #tpu.memory_space<semaphore_mem>> -> memref<!tpu.dma_semaphore, #tpu.memory_space<semaphore_mem>>
      %dma_start3A_315 = arith.constant 0 : i32
      %dma_start3A_316 = arith.constant 0 : i32
      %dma_start3A_317 = tpu.memref_slice %arg7[%dma_start3A_315, %get3A_310, %dma_start3A_316] : memref<20x1024x1024xf32, #tpu.memory_space<any>> -> memref<20x1x1024xf32, #tpu.memory_space<any>>
      %dma_start3A_318 = tpu.memref_squeeze %dma_start3A_317 : memref<20x1x1024xf32, #tpu.memory_space<any>> -> memref<20x1024xf32, #tpu.memory_space<any>>
      %dma_start3A_319 = arith.constant 0 : i32
      %dma_start3A_320 = arith.constant 0 : i32
      %dma_start3A_321 = tpu.memref_slice %arg10[%rem3A_269, %dma_start3A_311, %dma_start3A_319, %dma_start3A_320] : memref<2x16x20x1024xf32, #tpu.memory_space<vmem>> -> memref<1x1x20x1024xf32, #tpu.memory_space<vmem>>
      %dma_start3A_322 = tpu.memref_squeeze %dma_start3A_321 : memref<1x1x20x1024xf32, #tpu.memory_space<vmem>> -> memref<20x1024xf32, #tpu.memory_space<vmem>>
      tpu.enqueue_dma source(%dma_start3A_322 : memref<20x1024xf32, #tpu.memory_space<vmem>>) target(%dma_start3A_318 : memref<20x1024xf32, #tpu.memory_space<any>>) target_semaphore(%dma_start3A_314 : memref<!tpu.dma_semaphore, #tpu.memory_space<semaphore_mem>>)
      %mul3A_323 = arith.constant 16 : i32
      %mul3A_324 = arith.muli %arg0, %mul3A_323 : i32
      %add3A_325 = arith.constant 3 : i32
      %add3A_326 = arith.addi %mul3A_324, %add3A_325 : i32
      %get3A_327 = arith.index_cast %add3A_326 : i32 to index
      %get3A_328 = memref.load %arg1[%get3A_327] : memref<1088xi32, #tpu.memory_space<smem>>
      %dma_start3A_329 = arith.constant 3 : i32
      %dma_start3A_330 = arith.constant 3 : i32
      %dma_start3A_331 = tpu.memref_slice %arg12[%rem3A_269, %dma_start3A_330] : memref<2x16x!tpu.dma_semaphore, #tpu.memory_space<semaphore_mem>> -> memref<1x1x!tpu.dma_semaphore, #tpu.memory_space<semaphore_mem>>
      %dma_start3A_332 = tpu.memref_squeeze %dma_start3A_331 : memref<1x1x!tpu.dma_semaphore, #tpu.memory_space<semaphore_mem>> -> memref<!tpu.dma_semaphore, #tpu.memory_space<semaphore_mem>>
      %dma_start3A_333 = arith.constant 0 : i32
      %dma_start3A_334 = arith.constant 0 : i32
      %dma_start3A_335 = tpu.memref_slice %arg7[%dma_start3A_333, %get3A_328, %dma_start3A_334] : memref<20x1024x1024xf32, #tpu.memory_space<any>> -> memref<20x1x1024xf32, #tpu.memory_space<any>>
      %dma_start3A_336 = tpu.memref_squeeze %dma_start3A_335 : memref<20x1x1024xf32, #tpu.memory_space<any>> -> memref<20x1024xf32, #tpu.memory_space<any>>
      %dma_start3A_337 = arith.constant 0 : i32
      %dma_start3A_338 = arith.constant 0 : i32
      %dma_start3A_339 = tpu.memref_slice %arg10[%rem3A_269, %dma_start3A_329, %dma_start3A_337, %dma_start3A_338] : memref<2x16x20x1024xf32, #tpu.memory_space<vmem>> -> memref<1x1x20x1024xf32, #tpu.memory_space<vmem>>
      %dma_start3A_340 = tpu.memref_squeeze %dma_start3A_339 : memref<1x1x20x1024xf32, #tpu.memory_space<vmem>> -> memref<20x1024xf32, #tpu.memory_space<vmem>>
      tpu.enqueue_dma source(%dma_start3A_340 : memref<20x1024xf32, #tpu.memory_space<vmem>>) target(%dma_start3A_336 : memref<20x1024xf32, #tpu.memory_space<any>>) target_semaphore(%dma_start3A_332 : memref<!tpu.dma_semaphore, #tpu.memory_space<semaphore_mem>>)
      %mul3A_341 = arith.constant 16 : i32
      %mul3A_342 = arith.muli %arg0, %mul3A_341 : i32
      %add3A_343 = arith.constant 4 : i32
      %add3A_344 = arith.addi %mul3A_342, %add3A_343 : i32
      %get3A_345 = arith.index_cast %add3A_344 : i32 to index
      %get3A_346 = memref.load %arg1[%get3A_345] : memref<1088xi32, #tpu.memory_space<smem>>
      %dma_start3A_347 = arith.constant 4 : i32
      %dma_start3A_348 = arith.constant 4 : i32
      %dma_start3A_349 = tpu.memref_slice %arg12[%rem3A_269, %dma_start3A_348] : memref<2x16x!tpu.dma_semaphore, #tpu.memory_space<semaphore_mem>> -> memref<1x1x!tpu.dma_semaphore, #tpu.memory_space<semaphore_mem>>
      %dma_start3A_350 = tpu.memref_squeeze %dma_start3A_349 : memref<1x1x!tpu.dma_semaphore, #tpu.memory_space<semaphore_mem>> -> memref<!tpu.dma_semaphore, #tpu.memory_space<semaphore_mem>>
      %dma_start3A_351 = arith.constant 0 : i32
      %dma_start3A_352 = arith.constant 0 : i32
      %dma_start3A_353 = tpu.memref_slice %arg7[%dma_start3A_351, %get3A_346, %dma_start3A_352] : memref<20x1024x1024xf32, #tpu.memory_space<any>> -> memref<20x1x1024xf32, #tpu.memory_space<any>>
      %dma_start3A_354 = tpu.memref_squeeze %dma_start3A_353 : memref<20x1x1024xf32, #tpu.memory_space<any>> -> memref<20x1024xf32, #tpu.memory_space<any>>
      %dma_start3A_355 = arith.constant 0 : i32
      %dma_start3A_356 = arith.constant 0 : i32
      %dma_start3A_357 = tpu.memref_slice %arg10[%rem3A_269, %dma_start3A_347, %dma_start3A_355, %dma_start3A_356] : memref<2x16x20x1024xf32, #tpu.memory_space<vmem>> -> memref<1x1x20x1024xf32, #tpu.memory_space<vmem>>
      %dma_start3A_358 = tpu.memref_squeeze %dma_start3A_357 : memref<1x1x20x1024xf32, #tpu.memory_space<vmem>> -> memref<20x1024xf32, #tpu.memory_space<vmem>>
      tpu.enqueue_dma source(%dma_start3A_358 : memref<20x1024xf32, #tpu.memory_space<vmem>>) target(%dma_start3A_354 : memref<20x1024xf32, #tpu.memory_space<any>>) target_semaphore(%dma_start3A_350 : memref<!tpu.dma_semaphore, #tpu.memory_space<semaphore_mem>>)
      %mul3A_359 = arith.constant 16 : i32
      %mul3A_360 = arith.muli %arg0, %mul3A_359 : i32
      %add3A_361 = arith.constant 5 : i32
      %add3A_362 = arith.addi %mul3A_360, %add3A_361 : i32
      %get3A_363 = arith.index_cast %add3A_362 : i32 to index
      %get3A_364 = memref.load %arg1[%get3A_363] : memref<1088xi32, #tpu.memory_space<smem>>
      %dma_start3A_365 = arith.constant 5 : i32
      %dma_start3A_366 = arith.constant 5 : i32
      %dma_start3A_367 = tpu.memref_slice %arg12[%rem3A_269, %dma_start3A_366] : memref<2x16x!tpu.dma_semaphore, #tpu.memory_space<semaphore_mem>> -> memref<1x1x!tpu.dma_semaphore, #tpu.memory_space<semaphore_mem>>
      %dma_start3A_368 = tpu.memref_squeeze %dma_start3A_367 : memref<1x1x!tpu.dma_semaphore, #tpu.memory_space<semaphore_mem>> -> memref<!tpu.dma_semaphore, #tpu.memory_space<semaphore_mem>>
      %dma_start3A_369 = arith.constant 0 : i32
      %dma_start3A_370 = arith.constant 0 : i32
      %dma_start3A_371 = tpu.memref_slice %arg7[%dma_start3A_369, %get3A_364, %dma_start3A_370] : memref<20x1024x1024xf32, #tpu.memory_space<any>> -> memref<20x1x1024xf32, #tpu.memory_space<any>>
      %dma_start3A_372 = tpu.memref_squeeze %dma_start3A_371 : memref<20x1x1024xf32, #tpu.memory_space<any>> -> memref<20x1024xf32, #tpu.memory_space<any>>
      %dma_start3A_373 = arith.constant 0 : i32
      %dma_start3A_374 = arith.constant 0 : i32
      %dma_start3A_375 = tpu.memref_slice %arg10[%rem3A_269, %dma_start3A_365, %dma_start3A_373, %dma_start3A_374] : memref<2x16x20x1024xf32, #tpu.memory_space<vmem>> -> memref<1x1x20x1024xf32, #tpu.memory_space<vmem>>
      %dma_start3A_376 = tpu.memref_squeeze %dma_start3A_375 : memref<1x1x20x1024xf32, #tpu.memory_space<vmem>> -> memref<20x1024xf32, #tpu.memory_space<vmem>>
      tpu.enqueue_dma source(%dma_start3A_376 : memref<20x1024xf32, #tpu.memory_space<vmem>>) target(%dma_start3A_372 : memref<20x1024xf32, #tpu.memory_space<any>>) target_semaphore(%dma_start3A_368 : memref<!tpu.dma_semaphore, #tpu.memory_space<semaphore_mem>>)
      %mul3A_377 = arith.constant 16 : i32
      %mul3A_378 = arith.muli %arg0, %mul3A_377 : i32
      %add3A_379 = arith.constant 6 : i32
      %add3A_380 = arith.addi %mul3A_378, %add3A_379 : i32
      %get3A_381 = arith.index_cast %add3A_380 : i32 to index
      %get3A_382 = memref.load %arg1[%get3A_381] : memref<1088xi32, #tpu.memory_space<smem>>
      %dma_start3A_383 = arith.constant 6 : i32
      %dma_start3A_384 = arith.constant 6 : i32
      %dma_start3A_385 = tpu.memref_slice %arg12[%rem3A_269, %dma_start3A_384] : memref<2x16x!tpu.dma_semaphore, #tpu.memory_space<semaphore_mem>> -> memref<1x1x!tpu.dma_semaphore, #tpu.memory_space<semaphore_mem>>
      %dma_start3A_386 = tpu.memref_squeeze %dma_start3A_385 : memref<1x1x!tpu.dma_semaphore, #tpu.memory_space<semaphore_mem>> -> memref<!tpu.dma_semaphore, #tpu.memory_space<semaphore_mem>>
      %dma_start3A_387 = arith.constant 0 : i32
      %dma_start3A_388 = arith.constant 0 : i32
      %dma_start3A_389 = tpu.memref_slice %arg7[%dma_start3A_387, %get3A_382, %dma_start3A_388] : memref<20x1024x1024xf32, #tpu.memory_space<any>> -> memref<20x1x1024xf32, #tpu.memory_space<any>>
      %dma_start3A_390 = tpu.memref_squeeze %dma_start3A_389 : memref<20x1x1024xf32, #tpu.memory_space<any>> -> memref<20x1024xf32, #tpu.memory_space<any>>
      %dma_start3A_391 = arith.constant 0 : i32
      %dma_start3A_392 = arith.constant 0 : i32
      %dma_start3A_393 = tpu.memref_slice %arg10[%rem3A_269, %dma_start3A_383, %dma_start3A_391, %dma_start3A_392] : memref<2x16x20x1024xf32, #tpu.memory_space<vmem>> -> memref<1x1x20x1024xf32, #tpu.memory_space<vmem>>
      %dma_start3A_394 = tpu.memref_squeeze %dma_start3A_393 : memref<1x1x20x1024xf32, #tpu.memory_space<vmem>> -> memref<20x1024xf32, #tpu.memory_space<vmem>>
      tpu.enqueue_dma source(%dma_start3A_394 : memref<20x1024xf32, #tpu.memory_space<vmem>>) target(%dma_start3A_390 : memref<20x1024xf32, #tpu.memory_space<any>>) target_semaphore(%dma_start3A_386 : memref<!tpu.dma_semaphore, #tpu.memory_space<semaphore_mem>>)
      %mul3A_395 = arith.constant 16 : i32
      %mul3A_396 = arith.muli %arg0, %mul3A_395 : i32
      %add3A_397 = arith.constant 7 : i32
      %add3A_398 = arith.addi %mul3A_396, %add3A_397 : i32
      %get3A_399 = arith.index_cast %add3A_398 : i32 to index
      %get3A_400 = memref.load %arg1[%get3A_399] : memref<1088xi32, #tpu.memory_space<smem>>
      %dma_start3A_401 = arith.constant 7 : i32
      %dma_start3A_402 = arith.constant 7 : i32
      %dma_start3A_403 = tpu.memref_slice %arg12[%rem3A_269, %dma_start3A_402] : memref<2x16x!tpu.dma_semaphore, #tpu.memory_space<semaphore_mem>> -> memref<1x1x!tpu.dma_semaphore, #tpu.memory_space<semaphore_mem>>
      %dma_start3A_404 = tpu.memref_squeeze %dma_start3A_403 : memref<1x1x!tpu.dma_semaphore, #tpu.memory_space<semaphore_mem>> -> memref<!tpu.dma_semaphore, #tpu.memory_space<semaphore_mem>>
      %dma_start3A_405 = arith.constant 0 : i32
      %dma_start3A_406 = arith.constant 0 : i32
      %dma_start3A_407 = tpu.memref_slice %arg7[%dma_start3A_405, %get3A_400, %dma_start3A_406] : memref<20x1024x1024xf32, #tpu.memory_space<any>> -> memref<20x1x1024xf32, #tpu.memory_space<any>>
      %dma_start3A_408 = tpu.memref_squeeze %dma_start3A_407 : memref<20x1x1024xf32, #tpu.memory_space<any>> -> memref<20x1024xf32, #tpu.memory_space<any>>
      %dma_start3A_409 = arith.constant 0 : i32
      %dma_start3A_410 = arith.constant 0 : i32
      %dma_start3A_411 = tpu.memref_slice %arg10[%rem3A_269, %dma_start3A_401, %dma_start3A_409, %dma_start3A_410] : memref<2x16x20x1024xf32, #tpu.memory_space<vmem>> -> memref<1x1x20x1024xf32, #tpu.memory_space<vmem>>
      %dma_start3A_412 = tpu.memref_squeeze %dma_start3A_411 : memref<1x1x20x1024xf32, #tpu.memory_space<vmem>> -> memref<20x1024xf32, #tpu.memory_space<vmem>>
      tpu.enqueue_dma source(%dma_start3A_412 : memref<20x1024xf32, #tpu.memory_space<vmem>>) target(%dma_start3A_408 : memref<20x1024xf32, #tpu.memory_space<any>>) target_semaphore(%dma_start3A_404 : memref<!tpu.dma_semaphore, #tpu.memory_space<semaphore_mem>>)
      %mul3A_413 = arith.constant 16 : i32
      %mul3A_414 = arith.muli %arg0, %mul3A_413 : i32
      %add3A_415 = arith.constant 8 : i32
      %add3A_416 = arith.addi %mul3A_414, %add3A_415 : i32
      %get3A_417 = arith.index_cast %add3A_416 : i32 to index
      %get3A_418 = memref.load %arg1[%get3A_417] : memref<1088xi32, #tpu.memory_space<smem>>
      %dma_start3A_419 = arith.constant 8 : i32
      %dma_start3A_420 = arith.constant 8 : i32
      %dma_start3A_421 = tpu.memref_slice %arg12[%rem3A_269, %dma_start3A_420] : memref<2x16x!tpu.dma_semaphore, #tpu.memory_space<semaphore_mem>> -> memref<1x1x!tpu.dma_semaphore, #tpu.memory_space<semaphore_mem>>
      %dma_start3A_422 = tpu.memref_squeeze %dma_start3A_421 : memref<1x1x!tpu.dma_semaphore, #tpu.memory_space<semaphore_mem>> -> memref<!tpu.dma_semaphore, #tpu.memory_space<semaphore_mem>>
      %dma_start3A_423 = arith.constant 0 : i32
      %dma_start3A_424 = arith.constant 0 : i32
      %dma_start3A_425 = tpu.memref_slice %arg7[%dma_start3A_423, %get3A_418, %dma_start3A_424] : memref<20x1024x1024xf32, #tpu.memory_space<any>> -> memref<20x1x1024xf32, #tpu.memory_space<any>>
      %dma_start3A_426 = tpu.memref_squeeze %dma_start3A_425 : memref<20x1x1024xf32, #tpu.memory_space<any>> -> memref<20x1024xf32, #tpu.memory_space<any>>
      %dma_start3A_427 = arith.constant 0 : i32
      %dma_start3A_428 = arith.constant 0 : i32
      %dma_start3A_429 = tpu.memref_slice %arg10[%rem3A_269, %dma_start3A_419, %dma_start3A_427, %dma_start3A_428] : memref<2x16x20x1024xf32, #tpu.memory_space<vmem>> -> memref<1x1x20x1024xf32, #tpu.memory_space<vmem>>
      %dma_start3A_430 = tpu.memref_squeeze %dma_start3A_429 : memref<1x1x20x1024xf32, #tpu.memory_space<vmem>> -> memref<20x1024xf32, #tpu.memory_space<vmem>>
      tpu.enqueue_dma source(%dma_start3A_430 : memref<20x1024xf32, #tpu.memory_space<vmem>>) target(%dma_start3A_426 : memref<20x1024xf32, #tpu.memory_space<any>>) target_semaphore(%dma_start3A_422 : memref<!tpu.dma_semaphore, #tpu.memory_space<semaphore_mem>>)
      %mul3A_431 = arith.constant 16 : i32
      %mul3A_432 = arith.muli %arg0, %mul3A_431 : i32
      %add3A_433 = arith.constant 9 : i32
      %add3A_434 = arith.addi %mul3A_432, %add3A_433 : i32
      %get3A_435 = arith.index_cast %add3A_434 : i32 to index
      %get3A_436 = memref.load %arg1[%get3A_435] : memref<1088xi32, #tpu.memory_space<smem>>
      %dma_start3A_437 = arith.constant 9 : i32
      %dma_start3A_438 = arith.constant 9 : i32
      %dma_start3A_439 = tpu.memref_slice %arg12[%rem3A_269, %dma_start3A_438] : memref<2x16x!tpu.dma_semaphore, #tpu.memory_space<semaphore_mem>> -> memref<1x1x!tpu.dma_semaphore, #tpu.memory_space<semaphore_mem>>
      %dma_start3A_440 = tpu.memref_squeeze %dma_start3A_439 : memref<1x1x!tpu.dma_semaphore, #tpu.memory_space<semaphore_mem>> -> memref<!tpu.dma_semaphore, #tpu.memory_space<semaphore_mem>>
      %dma_start3A_441 = arith.constant 0 : i32
      %dma_start3A_442 = arith.constant 0 : i32
      %dma_start3A_443 = tpu.memref_slice %arg7[%dma_start3A_441, %get3A_436, %dma_start3A_442] : memref<20x1024x1024xf32, #tpu.memory_space<any>> -> memref<20x1x1024xf32, #tpu.memory_space<any>>
      %dma_start3A_444 = tpu.memref_squeeze %dma_start3A_443 : memref<20x1x1024xf32, #tpu.memory_space<any>> -> memref<20x1024xf32, #tpu.memory_space<any>>
      %dma_start3A_445 = arith.constant 0 : i32
      %dma_start3A_446 = arith.constant 0 : i32
      %dma_start3A_447 = tpu.memref_slice %arg10[%rem3A_269, %dma_start3A_437, %dma_start3A_445, %dma_start3A_446] : memref<2x16x20x1024xf32, #tpu.memory_space<vmem>> -> memref<1x1x20x1024xf32, #tpu.memory_space<vmem>>
      %dma_start3A_448 = tpu.memref_squeeze %dma_start3A_447 : memref<1x1x20x1024xf32, #tpu.memory_space<vmem>> -> memref<20x1024xf32, #tpu.memory_space<vmem>>
      tpu.enqueue_dma source(%dma_start3A_448 : memref<20x1024xf32, #tpu.memory_space<vmem>>) target(%dma_start3A_444 : memref<20x1024xf32, #tpu.memory_space<any>>) target_semaphore(%dma_start3A_440 : memref<!tpu.dma_semaphore, #tpu.memory_space<semaphore_mem>>)
      %mul3A_449 = arith.constant 16 : i32
      %mul3A_450 = arith.muli %arg0, %mul3A_449 : i32
      %add3A_451 = arith.constant 10 : i32
      %add3A_452 = arith.addi %mul3A_450, %add3A_451 : i32
      %get3A_453 = arith.index_cast %add3A_452 : i32 to index
      %get3A_454 = memref.load %arg1[%get3A_453] : memref<1088xi32, #tpu.memory_space<smem>>
      %dma_start3A_455 = arith.constant 10 : i32
      %dma_start3A_456 = arith.constant 10 : i32
      %dma_start3A_457 = tpu.memref_slice %arg12[%rem3A_269, %dma_start3A_456] : memref<2x16x!tpu.dma_semaphore, #tpu.memory_space<semaphore_mem>> -> memref<1x1x!tpu.dma_semaphore, #tpu.memory_space<semaphore_mem>>
      %dma_start3A_458 = tpu.memref_squeeze %dma_start3A_457 : memref<1x1x!tpu.dma_semaphore, #tpu.memory_space<semaphore_mem>> -> memref<!tpu.dma_semaphore, #tpu.memory_space<semaphore_mem>>
      %dma_start3A_459 = arith.constant 0 : i32
      %dma_start3A_460 = arith.constant 0 : i32
      %dma_start3A_461 = tpu.memref_slice %arg7[%dma_start3A_459, %get3A_454, %dma_start3A_460] : memref<20x1024x1024xf32, #tpu.memory_space<any>> -> memref<20x1x1024xf32, #tpu.memory_space<any>>
      %dma_start3A_462 = tpu.memref_squeeze %dma_start3A_461 : memref<20x1x1024xf32, #tpu.memory_space<any>> -> memref<20x1024xf32, #tpu.memory_space<any>>
      %dma_start3A_463 = arith.constant 0 : i32
      %dma_start3A_464 = arith.constant 0 : i32
      %dma_start3A_465 = tpu.memref_slice %arg10[%rem3A_269, %dma_start3A_455, %dma_start3A_463, %dma_start3A_464] : memref<2x16x20x1024xf32, #tpu.memory_space<vmem>> -> memref<1x1x20x1024xf32, #tpu.memory_space<vmem>>
      %dma_start3A_466 = tpu.memref_squeeze %dma_start3A_465 : memref<1x1x20x1024xf32, #tpu.memory_space<vmem>> -> memref<20x1024xf32, #tpu.memory_space<vmem>>
      tpu.enqueue_dma source(%dma_start3A_466 : memref<20x1024xf32, #tpu.memory_space<vmem>>) target(%dma_start3A_462 : memref<20x1024xf32, #tpu.memory_space<any>>) target_semaphore(%dma_start3A_458 : memref<!tpu.dma_semaphore, #tpu.memory_space<semaphore_mem>>)
      %mul3A_467 = arith.constant 16 : i32
      %mul3A_468 = arith.muli %arg0, %mul3A_467 : i32
      %add3A_469 = arith.constant 11 : i32
      %add3A_470 = arith.addi %mul3A_468, %add3A_469 : i32
      %get3A_471 = arith.index_cast %add3A_470 : i32 to index
      %get3A_472 = memref.load %arg1[%get3A_471] : memref<1088xi32, #tpu.memory_space<smem>>
      %dma_start3A_473 = arith.constant 11 : i32
      %dma_start3A_474 = arith.constant 11 : i32
      %dma_start3A_475 = tpu.memref_slice %arg12[%rem3A_269, %dma_start3A_474] : memref<2x16x!tpu.dma_semaphore, #tpu.memory_space<semaphore_mem>> -> memref<1x1x!tpu.dma_semaphore, #tpu.memory_space<semaphore_mem>>
      %dma_start3A_476 = tpu.memref_squeeze %dma_start3A_475 : memref<1x1x!tpu.dma_semaphore, #tpu.memory_space<semaphore_mem>> -> memref<!tpu.dma_semaphore, #tpu.memory_space<semaphore_mem>>
      %dma_start3A_477 = arith.constant 0 : i32
      %dma_start3A_478 = arith.constant 0 : i32
      %dma_start3A_479 = tpu.memref_slice %arg7[%dma_start3A_477, %get3A_472, %dma_start3A_478] : memref<20x1024x1024xf32, #tpu.memory_space<any>> -> memref<20x1x1024xf32, #tpu.memory_space<any>>
      %dma_start3A_480 = tpu.memref_squeeze %dma_start3A_479 : memref<20x1x1024xf32, #tpu.memory_space<any>> -> memref<20x1024xf32, #tpu.memory_space<any>>
      %dma_start3A_481 = arith.constant 0 : i32
      %dma_start3A_482 = arith.constant 0 : i32
      %dma_start3A_483 = tpu.memref_slice %arg10[%rem3A_269, %dma_start3A_473, %dma_start3A_481, %dma_start3A_482] : memref<2x16x20x1024xf32, #tpu.memory_space<vmem>> -> memref<1x1x20x1024xf32, #tpu.memory_space<vmem>>
      %dma_start3A_484 = tpu.memref_squeeze %dma_start3A_483 : memref<1x1x20x1024xf32, #tpu.memory_space<vmem>> -> memref<20x1024xf32, #tpu.memory_space<vmem>>
      tpu.enqueue_dma source(%dma_start3A_484 : memref<20x1024xf32, #tpu.memory_space<vmem>>) target(%dma_start3A_480 : memref<20x1024xf32, #tpu.memory_space<any>>) target_semaphore(%dma_start3A_476 : memref<!tpu.dma_semaphore, #tpu.memory_space<semaphore_mem>>)
      %mul3A_485 = arith.constant 16 : i32
      %mul3A_486 = arith.muli %arg0, %mul3A_485 : i32
      %add3A_487 = arith.constant 12 : i32
      %add3A_488 = arith.addi %mul3A_486, %add3A_487 : i32
      %get3A_489 = arith.index_cast %add3A_488 : i32 to index
      %get3A_490 = memref.load %arg1[%get3A_489] : memref<1088xi32, #tpu.memory_space<smem>>
      %dma_start3A_491 = arith.constant 12 : i32
      %dma_start3A_492 = arith.constant 12 : i32
      %dma_start3A_493 = tpu.memref_slice %arg12[%rem3A_269, %dma_start3A_492] : memref<2x16x!tpu.dma_semaphore, #tpu.memory_space<semaphore_mem>> -> memref<1x1x!tpu.dma_semaphore, #tpu.memory_space<semaphore_mem>>
      %dma_start3A_494 = tpu.memref_squeeze %dma_start3A_493 : memref<1x1x!tpu.dma_semaphore, #tpu.memory_space<semaphore_mem>> -> memref<!tpu.dma_semaphore, #tpu.memory_space<semaphore_mem>>
      %dma_start3A_495 = arith.constant 0 : i32
      %dma_start3A_496 = arith.constant 0 : i32
      %dma_start3A_497 = tpu.memref_slice %arg7[%dma_start3A_495, %get3A_490, %dma_start3A_496] : memref<20x1024x1024xf32, #tpu.memory_space<any>> -> memref<20x1x1024xf32, #tpu.memory_space<any>>
      %dma_start3A_498 = tpu.memref_squeeze %dma_start3A_497 : memref<20x1x1024xf32, #tpu.memory_space<any>> -> memref<20x1024xf32, #tpu.memory_space<any>>
      %dma_start3A_499 = arith.constant 0 : i32
      %dma_start3A_500 = arith.constant 0 : i32
      %dma_start3A_501 = tpu.memref_slice %arg10[%rem3A_269, %dma_start3A_491, %dma_start3A_499, %dma_start3A_500] : memref<2x16x20x1024xf32, #tpu.memory_space<vmem>> -> memref<1x1x20x1024xf32, #tpu.memory_space<vmem>>
      %dma_start3A_502 = tpu.memref_squeeze %dma_start3A_501 : memref<1x1x20x1024xf32, #tpu.memory_space<vmem>> -> memref<20x1024xf32, #tpu.memory_space<vmem>>
      tpu.enqueue_dma source(%dma_start3A_502 : memref<20x1024xf32, #tpu.memory_space<vmem>>) target(%dma_start3A_498 : memref<20x1024xf32, #tpu.memory_space<any>>) target_semaphore(%dma_start3A_494 : memref<!tpu.dma_semaphore, #tpu.memory_space<semaphore_mem>>)
      %mul3A_503 = arith.constant 16 : i32
      %mul3A_504 = arith.muli %arg0, %mul3A_503 : i32
      %add3A_505 = arith.constant 13 : i32
      %add3A_506 = arith.addi %mul3A_504, %add3A_505 : i32
      %get3A_507 = arith.index_cast %add3A_506 : i32 to index
      %get3A_508 = memref.load %arg1[%get3A_507] : memref<1088xi32, #tpu.memory_space<smem>>
      %dma_start3A_509 = arith.constant 13 : i32
      %dma_start3A_510 = arith.constant 13 : i32
      %dma_start3A_511 = tpu.memref_slice %arg12[%rem3A_269, %dma_start3A_510] : memref<2x16x!tpu.dma_semaphore, #tpu.memory_space<semaphore_mem>> -> memref<1x1x!tpu.dma_semaphore, #tpu.memory_space<semaphore_mem>>
      %dma_start3A_512 = tpu.memref_squeeze %dma_start3A_511 : memref<1x1x!tpu.dma_semaphore, #tpu.memory_space<semaphore_mem>> -> memref<!tpu.dma_semaphore, #tpu.memory_space<semaphore_mem>>
      %dma_start3A_513 = arith.constant 0 : i32
      %dma_start3A_514 = arith.constant 0 : i32
      %dma_start3A_515 = tpu.memref_slice %arg7[%dma_start3A_513, %get3A_508, %dma_start3A_514] : memref<20x1024x1024xf32, #tpu.memory_space<any>> -> memref<20x1x1024xf32, #tpu.memory_space<any>>
      %dma_start3A_516 = tpu.memref_squeeze %dma_start3A_515 : memref<20x1x1024xf32, #tpu.memory_space<any>> -> memref<20x1024xf32, #tpu.memory_space<any>>
      %dma_start3A_517 = arith.constant 0 : i32
      %dma_start3A_518 = arith.constant 0 : i32
      %dma_start3A_519 = tpu.memref_slice %arg10[%rem3A_269, %dma_start3A_509, %dma_start3A_517, %dma_start3A_518] : memref<2x16x20x1024xf32, #tpu.memory_space<vmem>> -> memref<1x1x20x1024xf32, #tpu.memory_space<vmem>>
      %dma_start3A_520 = tpu.memref_squeeze %dma_start3A_519 : memref<1x1x20x1024xf32, #tpu.memory_space<vmem>> -> memref<20x1024xf32, #tpu.memory_space<vmem>>
      tpu.enqueue_dma source(%dma_start3A_520 : memref<20x1024xf32, #tpu.memory_space<vmem>>) target(%dma_start3A_516 : memref<20x1024xf32, #tpu.memory_space<any>>) target_semaphore(%dma_start3A_512 : memref<!tpu.dma_semaphore, #tpu.memory_space<semaphore_mem>>)
      %mul3A_521 = arith.constant 16 : i32
      %mul3A_522 = arith.muli %arg0, %mul3A_521 : i32
      %add3A_523 = arith.constant 14 : i32
      %add3A_524 = arith.addi %mul3A_522, %add3A_523 : i32
      %get3A_525 = arith.index_cast %add3A_524 : i32 to index
      %get3A_526 = memref.load %arg1[%get3A_525] : memref<1088xi32, #tpu.memory_space<smem>>
      %dma_start3A_527 = arith.constant 14 : i32
      %dma_start3A_528 = arith.constant 14 : i32
      %dma_start3A_529 = tpu.memref_slice %arg12[%rem3A_269, %dma_start3A_528] : memref<2x16x!tpu.dma_semaphore, #tpu.memory_space<semaphore_mem>> -> memref<1x1x!tpu.dma_semaphore, #tpu.memory_space<semaphore_mem>>
      %dma_start3A_530 = tpu.memref_squeeze %dma_start3A_529 : memref<1x1x!tpu.dma_semaphore, #tpu.memory_space<semaphore_mem>> -> memref<!tpu.dma_semaphore, #tpu.memory_space<semaphore_mem>>
      %dma_start3A_531 = arith.constant 0 : i32
      %dma_start3A_532 = arith.constant 0 : i32
      %dma_start3A_533 = tpu.memref_slice %arg7[%dma_start3A_531, %get3A_526, %dma_start3A_532] : memref<20x1024x1024xf32, #tpu.memory_space<any>> -> memref<20x1x1024xf32, #tpu.memory_space<any>>
      %dma_start3A_534 = tpu.memref_squeeze %dma_start3A_533 : memref<20x1x1024xf32, #tpu.memory_space<any>> -> memref<20x1024xf32, #tpu.memory_space<any>>
      %dma_start3A_535 = arith.constant 0 : i32
      %dma_start3A_536 = arith.constant 0 : i32
      %dma_start3A_537 = tpu.memref_slice %arg10[%rem3A_269, %dma_start3A_527, %dma_start3A_535, %dma_start3A_536] : memref<2x16x20x1024xf32, #tpu.memory_space<vmem>> -> memref<1x1x20x1024xf32, #tpu.memory_space<vmem>>
      %dma_start3A_538 = tpu.memref_squeeze %dma_start3A_537 : memref<1x1x20x1024xf32, #tpu.memory_space<vmem>> -> memref<20x1024xf32, #tpu.memory_space<vmem>>
      tpu.enqueue_dma source(%dma_start3A_538 : memref<20x1024xf32, #tpu.memory_space<vmem>>) target(%dma_start3A_534 : memref<20x1024xf32, #tpu.memory_space<any>>) target_semaphore(%dma_start3A_530 : memref<!tpu.dma_semaphore, #tpu.memory_space<semaphore_mem>>)
      %mul3A_539 = arith.constant 16 : i32
      %mul3A_540 = arith.muli %arg0, %mul3A_539 : i32
      %add3A_541 = arith.constant 15 : i32
      %add3A_542 = arith.addi %mul3A_540, %add3A_541 : i32
      %get3A_543 = arith.index_cast %add3A_542 : i32 to index
      %get3A_544 = memref.load %arg1[%get3A_543] : memref<1088xi32, #tpu.memory_space<smem>>
      %dma_start3A_545 = arith.constant 15 : i32
      %dma_start3A_546 = arith.constant 15 : i32
      %dma_start3A_547 = tpu.memref_slice %arg12[%rem3A_269, %dma_start3A_546] : memref<2x16x!tpu.dma_semaphore, #tpu.memory_space<semaphore_mem>> -> memref<1x1x!tpu.dma_semaphore, #tpu.memory_space<semaphore_mem>>
      %dma_start3A_548 = tpu.memref_squeeze %dma_start3A_547 : memref<1x1x!tpu.dma_semaphore, #tpu.memory_space<semaphore_mem>> -> memref<!tpu.dma_semaphore, #tpu.memory_space<semaphore_mem>>
      %dma_start3A_549 = arith.constant 0 : i32
      %dma_start3A_550 = arith.constant 0 : i32
      %dma_start3A_551 = tpu.memref_slice %arg7[%dma_start3A_549, %get3A_544, %dma_start3A_550] : memref<20x1024x1024xf32, #tpu.memory_space<any>> -> memref<20x1x1024xf32, #tpu.memory_space<any>>
      %dma_start3A_552 = tpu.memref_squeeze %dma_start3A_551 : memref<20x1x1024xf32, #tpu.memory_space<any>> -> memref<20x1024xf32, #tpu.memory_space<any>>
      %dma_start3A_553 = arith.constant 0 : i32
      %dma_start3A_554 = arith.constant 0 : i32
      %dma_start3A_555 = tpu.memref_slice %arg10[%rem3A_269, %dma_start3A_545, %dma_start3A_553, %dma_start3A_554] : memref<2x16x20x1024xf32, #tpu.memory_space<vmem>> -> memref<1x1x20x1024xf32, #tpu.memory_space<vmem>>
      %dma_start3A_556 = tpu.memref_squeeze %dma_start3A_555 : memref<1x1x20x1024xf32, #tpu.memory_space<vmem>> -> memref<20x1024xf32, #tpu.memory_space<vmem>>
      tpu.enqueue_dma source(%dma_start3A_556 : memref<20x1024xf32, #tpu.memory_space<vmem>>) target(%dma_start3A_552 : memref<20x1024xf32, #tpu.memory_space<any>>) target_semaphore(%dma_start3A_548 : memref<!tpu.dma_semaphore, #tpu.memory_space<semaphore_mem>>)
    } else {
    }
    return
  }
  func.func @transform_1(%arg0: i32, %arg1: memref<1088xi32, #tpu.memory_space<smem>>, %arg2: memref<68xi32, #tpu.memory_space<smem>>, %arg3: memref<68xi32, #tpu.memory_space<smem>>) -> (i32, i32, i32) {
    %min3A = arith.constant 67 : i32
    %min3A_0 = arith.minsi %arg0, %min3A : i32
    %get3A = arith.index_cast %min3A_0 : i32 to index
    %get3A_1 = memref.load %arg2[%get3A] : memref<68xi32, #tpu.memory_space<smem>>
    %c0_i32 = arith.constant 0 : i32
    %c0_i32_2 = arith.constant 0 : i32
    %c0_i32_3 = arith.constant 0 : i32
    return %get3A_1, %c0_i32, %c0_i32_2 : i32, i32, i32
  }
  func.func @transform_2(%arg0: i32, %arg1: memref<1088xi32, #tpu.memory_space<smem>>, %arg2: memref<68xi32, #tpu.memory_space<smem>>, %arg3: memref<68xi32, #tpu.memory_space<smem>>) -> (i32, i32, i32) {
    %c0_i32 = arith.constant 0 : i32
    %c0_i32_0 = arith.constant 0 : i32
    %c0_i32_1 = arith.constant 0 : i32
    %c0_i32_2 = arith.constant 0 : i32
    return %c0_i32, %c0_i32_0, %c0_i32_1 : i32, i32, i32
  }
  func.func @transform_4(%arg0: i32, %arg1: memref<1088xi32, #tpu.memory_space<smem>>, %arg2: memref<68xi32, #tpu.memory_space<smem>>, %arg3: memref<68xi32, #tpu.memory_space<smem>>) -> (i32, i32, i32) {
    %min3A = arith.constant 67 : i32
    %min3A_0 = arith.minsi %arg0, %min3A : i32
    %c0_i32 = arith.constant 0 : i32
    %c0_i32_1 = arith.constant 0 : i32
    %c0_i32_2 = arith.constant 0 : i32
    return %min3A_0, %c0_i32, %c0_i32_1 : i32, i32, i32
  }
}

</mosaic_0001>

<sc_bundles>
// kernel: gather_offload_async_start
scs
__scs_entry_jumppad:
0x0: {  	(pc) =	sbr.rel $0x88, $3  }
0x1: {  	(tag) =	ssettag $0x0;
	lr =	simm.s32 $0x1  }
0x2: {  	[smem:$0x3F9D] =	sst lr;
	_ =	strace $0xD0000000  }
0x3: {  	_ = 	snop  }
0x4: {  	_ = 	snop  }
0x5: {  	_ = 	snop  }
0x6: {  	_ = 	snop  }
0x7: {  	_ = 	snop  }
__scs_overlays_trampoline_lowered:
0x8: {  	[smem:$0x3FAC] =	sst s0  }
0x9: {  	[smem:$0x3FAD] =	sst s1  }
0xa: {  	[smem:$0x3FAE] =	sst s2  }
0xb: {  	[smem:$0x3FAF] =	sst s3  }
0xc: {  	[smem:$0x3FB0] =	sst s4  }
0xd: {  	[smem:$0x3FB1] =	sst s5  }
0xe: {  	[smem:$0x3FB2] =	sst s6  }
0xf: {  	[smem:$0x3FB3] =	sst s7  }
0x10: {  	[smem:$0x3FB4] =	sst s8  }
0x11: {  	[smem:$0x3FB5] =	sst s9;
	s0 =	simm.s32 @!p0 $0x0  }
0x12: {  	s1 =	sld [smem:$0x3F9B];
	s0 =	simm.s32 @p0 $0x1  }
0x13: {  	[smem:$0x3FB6] =	sst s0;
	s0 =	simm.s32 @!p1 $0x0  }
0x14: {  	s2 =	sld [smem:$0x3F9A];
	s0 =	simm.s32 @p1 $0x1  }
0x15: {  	[smem:$0x3FB7] =	sst s0;
	s0 =	simm.s32 @!p2 $0x0  }
0x16: {  	s3 =	sld [smem:$0x3FDB];
	s0 =	simm.s32 @p2 $0x1  }
0x17: {  	s4 =	simm.s32 $0x1BF5;
	[smem:$0x3FB9] =	sst s0  }
0x18: {  	s0 =	sld [smem:$0x3F9C];
	_ =	swait.ge [sflag:s4], $0x0  }
0x19: {  	s7 =	sld [smem:$0x3F9D]  }
0x1a: {  	s8 =	sadd.s32 $0xFFFFE003, lr  }
0x1b: {  	s9 =	sadd.s32 $0xFFFFFEF7, lr;
	s5 =	simm.s32 $0xFFFFFFFF;
	p2 =	slt.u32 s8, $0xFFFFF086  }
0x1c: {  	p1 =	slt.u32 s9, $0xF7A;
	s5 =	simm.s32 @!p2 $0x0  }
0x1d: {  	s5 =	simm.s32 @p1 $0x1;
	p0 =	seq.s32 s7, s2  }
0x1e: {  	s7 =	smul.u32 @!p0 $0xF7A, s2;
	p2 =	seq.s32 @!p0 s5, $0x0  }
0x1f: {  	s9 =	smul.u32 $0xF7A, s1;
	s8 =	simm.s32 @!p0 $0x1BF5;
	p2 =	por !p2, p0  }
0x20: {  	[sflag:s8] =	ssyncset.s32 @!p0 $0xFFFFF086;
	s6 =	sadd.s32 @!p0 s3, s7;
	s7 =	simm.s32 @!p0 $0x108  }
0x21: {  	s3 =	sadd.s32 s3, s9;
	s6 =	sadd.s32 @!p0 $0x88, s6;
	s7 =	simm.s32 @p2 $0x1082  }
0x22: {  	[simem:s7], [sflag:s8] =	dma.local @!p0 [hbm:s6], $0xF7A  }
0x23: {  	s9 =	sor.u32 $0xD0000000, s2;
	s6 =	simm.s32 $0x108;
	_ =	swait.ge @!p0 [sflag:s8], $0x0  }
0x24: {  	s3 =	sadd.s32 $0x88, s3;
	s6 =	simm.s32 @!p1 $0x1082;
	[sflag:s4] =	ssyncset.s32 $0xFFFFF086  }
0x25: {  	[simem:s6], [sflag:s4] =	dma.local [hbm:s3], $0xF7A  }
0x26: {  	[smem:$0x3F9D] =	sst s1;
	(tag) =	ssettag s2;
	_ =	strace s9  }
0x27: {  	s1 =	sld [smem:$0x3FAD]  }
0x28: {  	s2 =	sld [smem:$0x3FAE]  }
0x29: {  	s4 =	sld [smem:$0x3FB0]  }
0x2a: {  	p0 =	seq.s32 s5, $0x0;
	s5 =	sld [smem:$0x3FB1]  }
0x2b: {  	s6 =	sld [smem:$0x3FB2]  }
0x2c: {  	s7 =	sld [smem:$0x3FB3]  }
0x2d: {  	s3 =	simm.s32 $0x108;
	s8 =	sld [smem:$0x3FB4]  }
0x2e: {  	s3 =	simm.s32 @!p0 $0x1082;
	s9 =	sld [smem:$0x3FB5]  }
0x2f: {  	lr =	sadd.s32 s0, s3;
	s0 =	sld [smem:$0x3FAC]  }
0x30: {  	s3 =	sld [smem:$0x3FAF]  }
0x31: {  	[smem:$0x3FB8] =	sst s10  }
0x32: {  	s10 =	sld [smem:$0x3FB6];
	_ =	sdelay $0x3  }
0x33: {  	p0 =	seq.s32 s10, $0x1;
	s10 =	sld [smem:$0x3FB8];
	_ =	sdelay $0x3  }
0x34: {  	[smem:$0x3FB8] =	sst s10  }
0x35: {  	s10 =	sld [smem:$0x3FB7];
	_ =	sdelay $0x3  }
0x36: {  	p1 =	seq.s32 s10, $0x1;
	s10 =	sld [smem:$0x3FB8];
	_ =	sdelay $0x3  }
0x37: {  	[smem:$0x3FB8] =	sst s10  }
0x38: {  	s10 =	sld [smem:$0x3FB9]  }
0x39: {  	_ = 	snop;
	(pc) =	sbr.ind lr, $3  }
0x3a: {  	_ = 	snop  }
0x3b: {  	_ = 	snop  }
0x3c: {  	p2 =	seq.s32 s10, $0x1;
	s10 =	sld [smem:$0x3FB8]  }
0x3d: {  	_ =	shalt  }
0x3e: {  	_ =	shalt  }
0x3f: {  	_ =	shalt  }
0x40: {  	_ =	shalt  }
0x41: {  	_ =	shalt  }
0x42: {  	_ =	shalt  }
0x43: {  	_ =	shalt  }
0x44: {  	_ =	shalt  }
0x45: {  	_ =	shalt  }
0x46: {  	_ =	shalt  }
0x47: {  	_ =	shalt  }
0x48: {  	_ =	shalt  }
0x49: {  	_ =	shalt  }
0x4a: {  	_ =	shalt  }
0x4b: {  	_ =	shalt  }
0x4c: {  	_ =	shalt  }
0x4d: {  	_ =	shalt  }
0x4e: {  	_ =	shalt  }
0x4f: {  	_ =	shalt  }
0x50: {  	_ =	shalt  }
0x51: {  	_ =	shalt  }
0x52: {  	_ =	shalt  }
0x53: {  	_ =	shalt  }
0x54: {  	_ =	shalt  }
0x55: {  	_ =	shalt  }
0x56: {  	_ =	shalt  }
0x57: {  	_ =	shalt  }
0x58: {  	_ =	shalt  }
0x59: {  	_ =	shalt  }
0x5a: {  	_ =	shalt  }
0x5b: {  	_ =	shalt  }
0x5c: {  	_ =	shalt  }
0x5d: {  	_ =	shalt  }
0x5e: {  	_ =	shalt  }
0x5f: {  	_ =	shalt  }
0x60: {  	_ =	shalt  }
0x61: {  	_ =	shalt  }
0x62: {  	_ =	shalt  }
0x63: {  	_ =	shalt  }
0x64: {  	_ =	shalt  }
0x65: {  	_ =	shalt  }
0x66: {  	_ =	shalt  }
0x67: {  	_ =	shalt  }
0x68: {  	_ =	shalt  }
0x69: {  	_ =	shalt  }
0x6a: {  	_ =	shalt  }
0x6b: {  	_ =	shalt  }
0x6c: {  	_ =	shalt  }
0x6d: {  	_ =	shalt  }
0x6e: {  	_ =	shalt  }
0x6f: {  	_ =	shalt  }
0x70: {  	_ =	shalt  }
0x71: {  	_ =	shalt  }
0x72: {  	_ =	shalt  }
0x73: {  	_ =	shalt  }
0x74: {  	_ =	shalt  }
0x75: {  	_ =	shalt  }
0x76: {  	_ =	shalt  }
0x77: {  	_ =	shalt  }
0x78: {  	_ =	shalt  }
0x79: {  	_ =	shalt  }
0x7a: {  	_ =	shalt  }
0x7b: {  	_ =	shalt  }
0x7c: {  	_ =	shalt  }
0x7d: {  	_ =	shalt  }
0x7e: {  	_ =	shalt  }
0x7f: {  	_ =	shalt  }
0x80: {  	_ =	shalt  }
0x81: {  	_ =	shalt  }
0x82: {  	_ =	shalt  }
0x83: {  	_ =	shalt  }
0x84: {  	_ =	shalt  }
0x85: {  	_ =	shalt  }
0x86: {  	_ =	shalt  }
0x87: {  	_ =	shalt  }
.Lfunc_end0:
.L_simem_size_0:
called_computation_lowered:
.L_overlay_start_0:
0x88: {  	s2 =	sld [smem:$0x3FD9]  }
0x89: {  	s3 =	sld [smem:$0x3FFE];
	_ =	sdelay $0x1  }
0x8a: {  	s1 =	srdreg.scid  }
0x8b: {  	s0 =	sand.u32 $0x1, s1  }
0x8c: {  	s14 =	sshll.u32 s0, $0xA;
	s2 =	sadd.s32 s3, s2  }
0x8d: {  	s2 =	sadd.s32 s2, s14  }
0x8e: {  	[smem:$0x3FC4] =	sst s2  }
0x8f: {  	_ = 	snop  }
0x90: {  	s2 =	sld [smem:$0x3FD0];
	_ =	sdelay $0x2  }
0x91: {  	s15 =	simm.s32 $0xA;
	s4 =	simm.s32 $0x10  }
0x92: {  	[smem:s4], [sflag:s15] =	dma.local [hbm:s2], $0x1  }
0x93: {  	_ =	swait.eq [sflag:s15], $0x1  }
0x94: {  	[sflag:s15] =	ssyncset.done $0x0  }
0x95: {  	[sflag:s15] =	ssyncadd.s32 $0xFFFFFFFF  }
0x96: {  	s16 =	sld [smem:$0x10];
	(tm) =	ssettm $0x1  }
0x97: {  	s17 =	sld [smem:$0x3FFB];
	_ =	sdelay $0x3  }
0x98: {  	_ =	strace s17  }
0x99: {  	s3 =	sld [smem:$0x3FFC];
	_ =	sdelay $0x3  }
0x9a: {  	_ =	strace s3  }
0x9b: {  	s3 =	sld [smem:$0x3FFD];
	_ =	sdelay $0x3  }
0x9c: {  	_ =	strace s3  }
0x9d: {  	_ =	strace $0x8FFFFFFF  }
0x9e: {  	s18 =	sld [smem:$0x3FDB];
	_ =	sdelay $0x1  }
0x9f: {  	s19 =	simm.s32 $_scs_section_size  }
0xa0: {  	s5 =	simm.s32 $_size__tile_overlayer_lowered;
	s6 =	simm.s32 $_tile_overlayer_lowered  }
0xa1: {  	s22 =	simm.s32 $0x1BFF;
	s21 =	sshll.u32 s6, $0x1;
	s3 =	sadd.s32 s19, s18  }
0xa2: {  	s7 =	simm.s32 $0x0;
	s20 =	sshll.u32 s5, $0x1;
	s5 =	sadd.s32 s21, s3  }
0xa3: {  	[timem:s7], [sflag:s22] =	dma.local [hbm:s5], s20  }
0xa4: {  	_ =	swait.ge [sflag:s22], s20  }
0xa5: {  	s4 =	ssub.s32 $0x0, s20;
	[sflag:s22] =	ssyncset.done $0x0  }
0xa6: {  	[sflag:s22] =	ssyncadd.s32 s4;
	_ =	sdelay $0x1  }
0xa7: {  	s23 =	simm.s32 $0x1B8B  }
0xa8: {  	_ =	swait.ge [sflag:s23], $0x1  }
0xa9: {  	[sflag:s23] =	ssyncset.done $0x0  }
0xaa: {  	s25 =	simm.s32 $0x1B8E;
	s24 =	sld [smem:$0x3FFE];
	[sflag:s23] =	ssyncadd.s32 $0xFFFFFFFF  }
0xab: {  	s26 =	simm.s32 $execute0_lowered;
	[smem:$0x3FD2] =	sst s25  }
0xac: {  	s5 =	sshll.u32 s26, $0x1;
	_ =	strace $0x80000046;
	[dreg:$0x1] =	wrdreg $0xFFFFFFFF  }
0xad: {  	s28 =	simm.s32 $_size_execute0_lowered;
	s3 =	sadd.s32 s3, s5;
	[dreg:$0x0] =	wrdreg $0x0  }
0xae: {  	s5 =	sshll.u32 s28, $0x1;
	[dreg:$0x2] =	wrdreg s3  }
0xaf: {  	[dreg:$0x3] =	wrdreg s5  }
0xb0: {  	[dreg:$0x4] =	wrdreg $0xC0  }
0xb1: {  	_ =	task [dreg:s7], $0x5FFFF  }
0xb2: {  	[dreg:$0x1] =	wrdreg $0xFFFFFFFF  }
0xb3: {  	[dreg:$0x0] =	wrdreg $0x60  }
0xb4: {  	[dreg:$0x2] =	wrdreg s24  }
0xb5: {  	[dreg:$0x3] =	wrdreg s16  }
0xb6: {  	[dreg:$0x4] =	wrdreg $0x9  }
0xb7: {  	_ =	task.clear_ibuf [dreg:s7], $0x5FFFF;
	_ =	strace $0x90000046  }
0xb8: {  	s29 =	simm.s32 $0x9;
	_ =	strace $0x80000048  }
0xb9: {  	_ =	swait.ge [sflag:s29], $0x1  }
0xba: {  	[sflag:s29] =	ssyncadd.s32 $0xFFFFFFFF  }
0xbb: {  	_ =	strace $0x90000048  }
0xbc: {  	_ =	sfence  }
0xbd: {  	s30 =	sld [smem:$0x0];
	_ =	sdelay $0x2  }
0xbe: {  	s31 =	sshll.u32 s1, $0xD;
	s1 =	sshrl.u32 s1, $0x2  }
0xbf: {  	s3 =	sand.u32 $0x4000, s31;
	s1 =	sadd.s32 s1, s30  }
0xc0: {  	s0 =	sor.u32 s3, s0;
	s1 =	sshll.u32 s1, $0x11  }
0xc1: {  	s0 =	sor.u32 s1, s0  }
0xc2: {  	s0 =	sadd.s32 $0x8F2B, s0  }
0xc3: {  	[sflag:s0] =	ssyncadd.remote.s32 $0x1  }
0xc4: {  	_ =	sfence.sel $0xFFFF  }
0xc5: {  	[dreg:$0x0] =	wrdreg $0xFFFFFFFF;
	(pc) =	sbr.abs _section_cstart, $3  }
0xc6: {  	[dreg:$0x1] =	wrdreg $0xFFFFFFFF  }
0xc7: {  	_ =	task.clear_ibuf [dreg:s7], $0x2FFFF;
	_ =	strace $0x9FFFFFFF  }
0xc8: {  	(tm) =	ssettm $0x7FFFFFFF  }
0xc9: {  	_ =	shalt  }
tec
execute0_lowered:
.L_overlay_start_1:
0x0: {  	(tag) =	ssettag $0x1  }
0x1: {  	s1 =	srdreg.scid  }
0x2: {  	s0 =	stileid.u32;
	s2 =	rddreg [dreg:$0x0];
	s1 =	sshll.u32 s1, $0x5  }
0x3: {  	s3 =	rddreg [dreg:$0x1];
	s4 =	sshll.u32 s0, $0x6;
	s1 =	sand.u32 $0x20, s1  }
0x4: {  	s6 =	simm.s32 $0x1;
	s30 =	simm.s32 $0x2;
	s4 =	sor.u32 s4, s1  }
0x5: {  	s31 =	simm.s32 $0x3;
	s11 =	simm.s32 $0x0;
	s5 =	ssub.s32 $0x440, s4  }
0x6: {  	s8 =	simm.s32 $0x0;
	s9 =	simm.s32 $0x0;
	s7 =	sand.u32 $0x3E0, s5  }
0x7: {  	s1 =	rddreg [dreg:$0x2];
	_ =	strace $0x80000047;
	p0 =	sne.s32 s7, $0x0  }
0x8: {  	[sflag:s6] =	ssyncpa.u1 $0x0;
	s5 =	sshrl.u32 s5, $0xA;
	s6 =	simm.s32 @!p0 $0x0  }
0x9: {  	s10 =	smov.u32 s4;
	[sflag:s30] =	ssyncpa.u1 $0x0;
	s5 =	sadd.s32 s6, s5  }
0xa: {  	[sflag:s31] =	ssyncpa.u1 $0x0;
	s6 =	sadd.s32 $0xA00, s2;
	s7 =	sadd.s32 $0x1, s5  }
.LBB2_1:
0xb: {  	p0 =	sge.u32 s9, s5  }
0xc: {  	s31 =	sadd.s32 $0xFFFFFFFF, s9;
	s12 =	sxor.u32 @!p0 $0xFFFFFFFF, s8;
	s13 =	sshrl.u32 @!p0 s10, $0x3  }
0xd: {  	s14 =	sand.u32 @!p0 $0x7, s10;
	s12 =	sand.u32 @!p0 $0x20, s12;
	s13 =	sadd.s32 @!p0 s3, s13  }
0xe: {  	[tilespmem:s12], [sflag:$0x2] =	stream.linear.gather @!p0 [hbm4b:s13+s14], $0x20, $0x38;
	[tilespmem:$0x80] =	vst v63  }
0xf: {  	p0 =	sge.u32 s31, s5  }
0x10: {  	s12 =	simm.s32 @!p0 $0x2  }
0x11: {  	_ =	swait.ge @!p0 [sflag:s12], $0x20  }
0x12: {  	[sflag:s12] =	ssyncset.done @!p0 $0x0  }
0x13: {  	[sflag:s12] =	ssyncadd.s32 @!p0 $0xFFFFFFE0;
	s12 =	sand.u32 @!p0 $0x20, s8  }
0x14: {  	(ifvalue) =	ssetifvalue @!p0 $0x7FFFFFFF;
	v0 =	vld.msk @!p0 [tilespmem:s12+$0x0 ss:$0x1], $0xffff;
	_ =	sdelay $0x4  }
0x15: {  	vm0 =	vgt.s32 @!p0 v0, $0x0  }
0x16: {  	v0 =	vnsel @!p0 vm0, $0x0, v0  }
0x17: {  	v0 =	vmin.u32 @!p0 v0, $0x3FF;
	_ =	sdelay $0x2  }
0x18: {  	s14 =	simm.s32 @!p0 $0x0  }
0x19: {  	s13 =	sor.u32 @!p0 $0x40, s12;
	(ifvalue) =	ssetifvalue @!p0 $0x7FFFFFFF;
	s15 =	sor.u32 @!p0 $0x10, s12;
	vm0 =	vmmov @!p0 $0xffff  }
0x1a: {  	[tilespmem:s13], [sflag:$0x1] =	stream.indirect_vreg.gather @!p0 [hbm4b:s6+s14], $0x1, v0, vm0, $0x4038;
	[tilespmem:$0x80] =	vst v63  }
0x1b: {  	v0 =	vld.msk @!p0 [tilespmem:s15+$0x0 ss:$0x1], $0xffff;
	_ =	sdelay $0x4  }
0x1c: {  	vm1 =	vgt.s32 @!p0 v0, $0x0  }
0x1d: {  	v0 =	vnsel @!p0 vm1, $0x0, v0  }
0x1e: {  	v0 =	vmin.u32 @!p0 v0, $0x3FF;
	_ =	sdelay $0x3  }
0x1f: {  	s12 =	sor.u32 @!p0 $0x50, s12;
	(ifvalue) =	ssetifvalue @!p0 $0x7FFFFFFF  }
0x20: {  	[tilespmem:s12], [sflag:$0x1] =	stream.indirect_vreg.gather @!p0 [hbm4b:s6+s14], $0x1, v0, vm0, $0x4038;
	[tilespmem:$0x80] =	vst v63  }
0x21: {  	s12 =	simm.s32 @!p0 $0x1  }
0x22: {  	_ =	swait.ge @!p0 [sflag:s12], $0x20  }
0x23: {  	s14 =	sshrl.u32 @!p0 s11, $0x3;
	[sflag:s12] =	ssyncset.done @!p0 $0x0  }
0x24: {  	s11 =	sand.u32 @!p0 $0x7, s11;
	[sflag:s12] =	ssyncadd.s32 @!p0 $0xFFFFFFE0;
	s12 =	sadd.s32 @!p0 s2, s14  }
0x25: {  	[hbm4b:s12+s11] =	stream.linear.scatter @!p0 [tilespmem:s13], [sflag:$0x3], $0x20, $0x38;
	[tilespmem:$0x80] =	vst v63  }
0x26: {  	s13 =	sadd.s32 $0x400, s10  }
0x27: {  	p1 =	sgt.s32 s13, $0x43F  }
0x28: {  	s13 =	smov.u32 @p1 s4;
	p1 =	sne.s32 s9, s7  }
.Ltmp0:
0x29: {  	p0 =	slt.u32 s9, $0x2;
	(pc) =	sbr.rel @p1 .LBB2_1-.Ltmp0, $4  }
0x2a: {  	s12 =	simm.s32 @!p0 $0x3  }
0x2b: {  	_ =	swait.ge @!p0 [sflag:s12], $0x20  }
0x2c: {  	s8 =	sadd.s32 $0x20, s8;
	s11 =	smov.u32 s10;
	[sflag:s12] =	ssyncset.done @!p0 $0x0  }
0x2d: {  	s9 =	sadd.s32 $0x1, s9;
	s10 =	smov.u32 s13;
	[sflag:s12] =	ssyncadd.s32 @!p0 $0xFFFFFFE0  }
0x2e: {  	_ =	sfence.sel $0x180000  }
0x2f: {  	s2 =	simm.s32 $0x2;
	[bflag:$0x0] =	sbarrier.arrive $0xFFFF  }
0x30: {  	s30 =	simm.s32 $0x3;
	[sflag:s2] =	ssyncpa.u1 $0x1  }
0x31: {  	s31 =	simm.s32 $0x1;
	[sflag:s30] =	ssyncpa.u1 $0x1  }
0x32: {  	[sflag:s31] =	ssyncpa.u1 $0x1  }
0x33: {  	p0 =	sne.s32 s0, $0x0;
	_ =	strace $0x90000047  }
0x34: {  	s0 =	sadd.s32 @!p0 $0x100000, s1;
	[bflag:$0x2] =	sbarrier.arrive $0xFFFF  }
0x35: {  	[sflag:s0] =	ssyncadd.tile.s32 @!p0 $0x1;
	_ =	shalt  }
.Lfunc_end2:
_tile_overlayer_lowered:
.L_overlay_start_2:
0x36: {  	(tag) =	ssettag $0x2  }
0x37: {  	s0 =	rddreg [dreg:$0x0];
	s2 =	stileid.u32  }
0x38: {  	s1 =	rddreg [dreg:$0x1];
	p0 =	sne.s32 s2, $0x0  }
0x39: {  	s3 =	rddreg [dreg:$0x2];
	[bflag:$0x3] =	sbarrier.arrive $0xFFFF;
	s2 =	simm.s32 @!p0 $0x1C01  }
0x3a: {  	[timem:s3], [sflag:s2] =	dma.local @!p0 [hbm:s0], s1  }
0x3b: {  	s0 =	simm.s32 @!p0 $0x1  }
0x3c: {  	_ =	swait.ge @!p0 [sflag:s0], s1  }
0x3d: {  	s1 =	ssub.s32 @!p0 $0x0, s1;
	[sflag:s0] =	ssyncset.done @!p0 $0x0  }
0x3e: {  	[sflag:s0] =	ssyncadd.s32 @!p0 s1  }
0x3f: {  	[bflag:$0x3] =	sbarrier.arrive $0xFFFF  }
0x40: {  	_ =	shalt  }

</sc_bundles>
